<compile_context>
chip_gen: v7x
topology: tpu7x:2x2x1
jax: 0.10.2.dev20260603
libtpu: 0.0.44.dev20260713+nightly
codegen_flags: <defaults>
</compile_context>

<pallas_src>
import functools

import jax
import jax.numpy as jnp
from jax import lax
from jax.experimental import pallas as pl
from jax.experimental.pallas import tpu as pltpu
from jax.experimental.pallas import tpu_sc as plsc

_NC = 2
_NS = 16
_NW = _NC * _NS
_C = 16
_NBUF = 6
_AH = 4


def _sc_gather(table, idx_flat):
    n = idx_flat.shape[0]
    d = table.shape[1]
    b_per_w = n // _NW
    n_chunks = b_per_w // _C
    mesh = plsc.VectorSubcoreMesh(core_axis_name="core",
                                  subcore_axis_name="subcore")

    @functools.partial(
        pl.kernel,
        out_type=jax.ShapeDtypeStruct((n, d), table.dtype),
        mesh=mesh,
        scratch_types=(
            [pltpu.VMEM((b_per_w,), jnp.int32)]
            + [pltpu.VMEM((_C, d), table.dtype) for _ in range(_NBUF)]
            + [pltpu.SemaphoreType.DMA for _ in range(_NBUF)]
            + [pltpu.SemaphoreType.DMA]
        ),
    )
    def gather_kernel(table_hbm, idx_hbm, out_hbm, idx_v, *rest):
        bufs = rest[:_NBUF]
        gsems = rest[_NBUF:2 * _NBUF]
        ssem = rest[2 * _NBUF]

        wid = lax.axis_index("subcore") * _NC + lax.axis_index("core")
        base = wid * b_per_w
        pltpu.sync_copy(idx_hbm.at[pl.ds(base, b_per_w)], idx_v)

        def start_gather(j, buf, gsem):
            pltpu.async_copy(table_hbm.at[idx_v.at[pl.ds(j * _C, _C)]],
                             buf, gsem)

        def wait_gather(j, buf, gsem):
            pltpu.make_async_copy(table_hbm.at[idx_v.at[pl.ds(j * _C, _C)]],
                                  buf, gsem).wait()

        def start_scatter(j, buf):
            pltpu.async_copy(buf, out_hbm.at[pl.ds(base + j * _C, _C)], ssem)

        def wait_scatter(j, buf):
            pltpu.make_async_copy(buf, out_hbm.at[pl.ds(base + j * _C, _C)],
                                  ssem).wait()

        for g in range(_AH):
            start_gather(g, bufs[g], gsems[g])

        def visit(j, b, bg, pb):
            @pl.when(j >= 1)
            def _():
                wait_scatter(j - 1, bufs[pb])

            @pl.when(j + _AH < n_chunks)
            def _():
                start_gather(j + _AH, bufs[bg], gsems[bg])

            wait_gather(j, bufs[b], gsems[b])
            start_scatter(j, bufs[b])

        @pl.loop(0, n_chunks)
        def _(j):
            for r in range(_NBUF):
                @pl.when(j % _NBUF == r)
                def _(r=r):
                    visit(j, r, (r + _AH) % _NBUF, (r - 1) % _NBUF)

        jl = n_chunks - 1
        wait_scatter(jl, bufs[jl % _NBUF])

    return gather_kernel(table, idx_flat)


def kernel(position_ids, table):
    flat = position_ids.reshape(-1)
    out = _sc_gather(table, flat)
    return out.reshape(*position_ids.shape, table.shape[1])

# --- scband reference (transcript-rebuilt; emitter-appended) ---
"""Pipeline reference for scband-sinusoidal-position-encoding-28707561407381 (READ-ONLY COPY).

The authoritative reference and input builder live on the scoring server;
editing this copy changes nothing except your own understanding.
"""

import jax, jax.numpy as jnp
import numpy as np

MAX_POSITION = 8192
EMBEDDING_SIZE = 1024
BATCH = 4
SEQ_LEN = 8192


def get_sinusoid_encoding_table(n_position, d_hid):
    pos = np.arange(n_position, dtype=np.float64)[:, None]
    i = np.arange(d_hid, dtype=np.float64)[None, :]
    angle = pos / np.power(10000.0, 2.0 * np.floor(i / 2.0) / d_hid)
    table = np.zeros((n_position, d_hid), dtype=np.float64)
    table[:, 0::2] = np.sin(angle[:, 0::2])
    table[:, 1::2] = np.cos(angle[:, 1::2])
    return jnp.asarray(table, dtype=jnp.float32)


def setup_inputs(seed: int = 0) -> dict:
    key = jax.random.key(seed)
    position_ids = jax.random.randint(key, (BATCH, SEQ_LEN), 0, MAX_POSITION, dtype=jnp.int32)
    table = get_sinusoid_encoding_table(MAX_POSITION, EMBEDDING_SIZE)
    return {"position_ids": position_ids, "table": table}


def reference(position_ids, table):
    # nn.Embedding lookup == row gather from the (frozen) sinusoid table
    return jnp.take(table, position_ids, axis=0)

if __name__ == "__main__":
    import jax
    _d = setup_inputs()
    print(jax.jit(kernel)(*tuple(_d.values())))

</pallas_src>

<mosaic_0001>
#map = affine_map<(d0, d1) -> (0, 0)>
#map1 = affine_map<(d0, d1) -> (0)>
module attributes {stable_mosaic.version = 14 : i64} {
  func.func @gather_kernel(%arg0: i32, %arg1: i32, %arg2: memref<8192x1024xf32, #tpu.memory_space<hbm>>, %arg3: memref<32768xi32, #tpu.memory_space<hbm>>, %arg4: memref<32768x1024xf32, #tpu.memory_space<hbm>>, %arg5: memref<1024xi32, #tpu.memory_space<vmem>>, %arg6: memref<16x1024xf32, #tpu.memory_space<vmem>>, %arg7: memref<16x1024xf32, #tpu.memory_space<vmem>>, %arg8: memref<16x1024xf32, #tpu.memory_space<vmem>>, %arg9: memref<16x1024xf32, #tpu.memory_space<vmem>>, %arg10: memref<16x1024xf32, #tpu.memory_space<vmem>>, %arg11: memref<16x1024xf32, #tpu.memory_space<vmem>>, %arg12: memref<!tpu.dma_semaphore, #tpu.memory_space<semaphore_mem>>, %arg13: memref<!tpu.dma_semaphore, #tpu.memory_space<semaphore_mem>>, %arg14: memref<!tpu.dma_semaphore, #tpu.memory_space<semaphore_mem>>, %arg15: memref<!tpu.dma_semaphore, #tpu.memory_space<semaphore_mem>>, %arg16: memref<!tpu.dma_semaphore, #tpu.memory_space<semaphore_mem>>, %arg17: memref<!tpu.dma_semaphore, #tpu.memory_space<semaphore_mem>>, %arg18: memref<!tpu.dma_semaphore, #tpu.memory_space<semaphore_mem>>) attributes {dimension_semantics = [#tpu.dimension_semantics<core_parallel>, #tpu.dimension_semantics<subcore_parallel>], iteration_bounds = array<i64: 2, 16>, scalar_prefetch = 0 : i64, scratch_operands = 14 : i64, tpu.core_type = #tpu.core_type<sc_vector_subcore>, window_params = [{transform_indices = #map}, {transform_indices = #map1}, {transform_indices = #map}]} {
    %mul3A = arith.constant 2 : i32
    %mul3A_0 = arith.muli %arg1, %mul3A : i32
    %add3A = arith.addi %mul3A_0, %arg0 : i32
    %mul3A_1 = arith.constant 1024 : i32
    %mul3A_2 = arith.muli %add3A, %mul3A_1 : i32
    "tpu.region"() ({
      %run_scoped3A = tpu.sem_alloc : memref<!tpu.dma_semaphore, #tpu.memory_space<semaphore_mem>>
      %dma_start3A_31 = tpu.memref_slice %arg3[%mul3A_2] : memref<32768xi32, #tpu.memory_space<hbm>> -> memref<1024xi32, #tpu.memory_space<hbm>>
      %dma_start3A_32 = tpu.memref_slice %arg3[%mul3A_2] : memref<32768xi32, #tpu.memory_space<hbm>> -> memref<1024xi32, #tpu.memory_space<hbm>>
      tpu.enqueue_dma source(%dma_start3A_32 : memref<1024xi32, #tpu.memory_space<hbm>>) target(%arg5 : memref<1024xi32, #tpu.memory_space<vmem>>) target_semaphore(%run_scoped3A : memref<!tpu.dma_semaphore, #tpu.memory_space<semaphore_mem>>)
      %dma_wait3A_33 = tpu.memref_slice %arg3[%mul3A_2] : memref<32768xi32, #tpu.memory_space<hbm>> -> memref<1024xi32, #tpu.memory_space<hbm>>
      %dma_wait3A_34 = tpu.memref_slice %arg3[%mul3A_2] : memref<32768xi32, #tpu.memory_space<hbm>> -> memref<1024xi32, #tpu.memory_space<hbm>>
      tpu.wait_dma2 semaphore(%run_scoped3A : memref<!tpu.dma_semaphore, #tpu.memory_space<semaphore_mem>>) src(%dma_wait3A_34 : memref<1024xi32, #tpu.memory_space<hbm>>) dst(%arg5 : memref<1024xi32, #tpu.memory_space<vmem>>)
      tpu.yield
    }) : () -> ()
    %dma_start3A = arith.constant 0 : i32
    %dma_start3A_3 = tpu.memref_slice %arg5[%dma_start3A] : memref<1024xi32, #tpu.memory_space<vmem>> -> memref<16xi32, #tpu.memory_space<vmem>>
    %dma_start3A_4 = arith.constant 0 : i32
    %dma_start3A_5 = arith.constant 0 : i32
    %dma_start3A_6 = tpu.memref_slice %arg2[%dma_start3A_4, %dma_start3A_5] : memref<8192x1024xf32, #tpu.memory_space<hbm>> -> memref<8192x1024xf32, #tpu.memory_space<hbm>>
    tpu.enqueue_indirect_dma source(%dma_start3A_6 : memref<8192x1024xf32, #tpu.memory_space<hbm>>) target(%arg6 : memref<16x1024xf32, #tpu.memory_space<vmem>>) offsets(%dma_start3A_3 : memref<16xi32, #tpu.memory_space<vmem>>) semaphore(%arg12 : memref<!tpu.dma_semaphore, #tpu.memory_space<semaphore_mem>>)
    %dma_start3A_7 = arith.constant 16 : i32
    %dma_start3A_8 = tpu.memref_slice %arg5[%dma_start3A_7] : memref<1024xi32, #tpu.memory_space<vmem>> -> memref<16xi32, #tpu.memory_space<vmem>>
    %dma_start3A_9 = arith.constant 0 : i32
    %dma_start3A_10 = arith.constant 0 : i32
    %dma_start3A_11 = tpu.memref_slice %arg2[%dma_start3A_9, %dma_start3A_10] : memref<8192x1024xf32, #tpu.memory_space<hbm>> -> memref<8192x1024xf32, #tpu.memory_space<hbm>>
    tpu.enqueue_indirect_dma source(%dma_start3A_11 : memref<8192x1024xf32, #tpu.memory_space<hbm>>) target(%arg7 : memref<16x1024xf32, #tpu.memory_space<vmem>>) offsets(%dma_start3A_8 : memref<16xi32, #tpu.memory_space<vmem>>) semaphore(%arg13 : memref<!tpu.dma_semaphore, #tpu.memory_space<semaphore_mem>>)
    %dma_start3A_12 = arith.constant 32 : i32
    %dma_start3A_13 = tpu.memref_slice %arg5[%dma_start3A_12] : memref<1024xi32, #tpu.memory_space<vmem>> -> memref<16xi32, #tpu.memory_space<vmem>>
    %dma_start3A_14 = arith.constant 0 : i32
    %dma_start3A_15 = arith.constant 0 : i32
    %dma_start3A_16 = tpu.memref_slice %arg2[%dma_start3A_14, %dma_start3A_15] : memref<8192x1024xf32, #tpu.memory_space<hbm>> -> memref<8192x1024xf32, #tpu.memory_space<hbm>>
    tpu.enqueue_indirect_dma source(%dma_start3A_16 : memref<8192x1024xf32, #tpu.memory_space<hbm>>) target(%arg8 : memref<16x1024xf32, #tpu.memory_space<vmem>>) offsets(%dma_start3A_13 : memref<16xi32, #tpu.memory_space<vmem>>) semaphore(%arg14 : memref<!tpu.dma_semaphore, #tpu.memory_space<semaphore_mem>>)
    %dma_start3A_17 = arith.constant 48 : i32
    %dma_start3A_18 = tpu.memref_slice %arg5[%dma_start3A_17] : memref<1024xi32, #tpu.memory_space<vmem>> -> memref<16xi32, #tpu.memory_space<vmem>>
    %dma_start3A_19 = arith.constant 0 : i32
    %dma_start3A_20 = arith.constant 0 : i32
    %dma_start3A_21 = tpu.memref_slice %arg2[%dma_start3A_19, %dma_start3A_20] : memref<8192x1024xf32, #tpu.memory_space<hbm>> -> memref<8192x1024xf32, #tpu.memory_space<hbm>>
    tpu.enqueue_indirect_dma source(%dma_start3A_21 : memref<8192x1024xf32, #tpu.memory_space<hbm>>) target(%arg9 : memref<16x1024xf32, #tpu.memory_space<vmem>>) offsets(%dma_start3A_18 : memref<16xi32, #tpu.memory_space<vmem>>) semaphore(%arg15 : memref<!tpu.dma_semaphore, #tpu.memory_space<semaphore_mem>>)
    %scan3A = arith.constant 0 : i32
    %scan3A_22 = arith.constant 64 : i32
    %scan3A_23 = arith.addi %scan3A, %scan3A_22 : i32
    %scan3A_24 = arith.constant 1 : i32
    scf.for %scan3A_31 = %scan3A to %scan3A_23 step %scan3A_24  : i32 {
      %mul3A_32 = arith.constant 1 : i32
      %mul3A_33 = arith.muli %scan3A_31, %mul3A_32 : i32
      %add3A_34 = arith.constant 0 : i32
      %add3A_35 = arith.addi %add3A_34, %mul3A_33 : i32
      %jit3A = arith.constant 6 : i32
      %eq3A = arith.constant 0 : i32
      %eq3A_36 = arith.cmpi eq, %jit3A, %eq3A : i32
      %jit3A_37 = arith.constant 1 : i32
      %select_n3A = arith.select %eq3A_36, %jit3A_37, %jit3A : i32
      %rem3A = arith.remsi %add3A_35, %select_n3A : i32
      %ne3A = arith.constant 0 : i32
      %ne3A_38 = arith.cmpi ne, %rem3A, %ne3A : i32
      %lt3A = arith.constant 0 : i32
      %lt3A_39 = arith.cmpi slt, %rem3A, %lt3A : i32
      %lt3A_40 = arith.constant 0 : i32
      %lt3A_41 = arith.cmpi slt, %select_n3A, %lt3A_40 : i32
      %ne3A_42 = arith.xori %lt3A_39, %lt3A_41 : i1
      %and3A = arith.andi %ne3A_42, %ne3A_38 : i1
      %add3A_43 = arith.addi %rem3A, %select_n3A : i32
      %select_n3A_44 = arith.select %and3A, %add3A_43, %rem3A : i32
      %eq3A_45 = arith.constant 0 : i32
      %eq3A_46 = arith.cmpi eq, %select_n3A_44, %eq3A_45 : i32
      %convert_element_type3A = arith.extui %eq3A_46 : i1 to i32
      %cond3A = arith.constant 0 : i32
      %cond3A_47 = arith.cmpi ne, %convert_element_type3A, %cond3A : i32
      scf.if %cond3A_47 {
        %ge3A = arith.constant 1 : i32
        %ge3A_153 = arith.cmpi sge, %add3A_35, %ge3A : i32
        %convert_element_type3A_154 = arith.extui %ge3A_153 : i1 to i32
        %cond3A_155 = arith.constant 0 : i32
        %cond3A_156 = arith.cmpi ne, %convert_element_type3A_154, %cond3A_155 : i32
        scf.if %cond3A_156 {
          %sub3A = arith.constant 1 : i32
          %sub3A_177 = arith.subi %add3A_35, %sub3A : i32
          %mul3A_178 = arith.constant 16 : i32
          %mul3A_179 = arith.muli %sub3A_177, %mul3A_178 : i32
          %add3A_180 = arith.addi %mul3A_2, %mul3A_179 : i32
          %dma_wait3A_181 = arith.constant 0 : i32
          %dma_wait3A_182 = tpu.memref_slice %arg4[%add3A_180, %dma_wait3A_181] : memref<32768x1024xf32, #tpu.memory_space<hbm>> -> memref<16x1024xf32, #tpu.memory_space<hbm>>
          %dma_wait3A_183 = arith.constant 0 : i32
          %dma_wait3A_184 = tpu.memref_slice %arg4[%add3A_180, %dma_wait3A_183] : memref<32768x1024xf32, #tpu.memory_space<hbm>> -> memref<16x1024xf32, #tpu.memory_space<hbm>>
          tpu.wait_dma2 semaphore(%arg18 : memref<!tpu.dma_semaphore, #tpu.memory_space<semaphore_mem>>) src(%arg11 : memref<16x1024xf32, #tpu.memory_space<vmem>>) dst(%dma_wait3A_184 : memref<16x1024xf32, #tpu.memory_space<hbm>>)
        } else {
        }
        %add3A_157 = arith.constant 4 : i32
        %add3A_158 = arith.addi %add3A_35, %add3A_157 : i32
        %lt3A_159 = arith.constant 64 : i32
        %lt3A_160 = arith.cmpi slt, %add3A_158, %lt3A_159 : i32
        %convert_element_type3A_161 = arith.extui %lt3A_160 : i1 to i32
        %cond3A_162 = arith.constant 0 : i32
        %cond3A_163 = arith.cmpi ne, %convert_element_type3A_161, %cond3A_162 : i32
        scf.if %cond3A_163 {
          %add3A_177 = arith.constant 4 : i32
          %add3A_178 = arith.addi %add3A_35, %add3A_177 : i32
          %mul3A_179 = arith.constant 16 : i32
          %mul3A_180 = arith.muli %add3A_178, %mul3A_179 : i32
          %dma_start3A_181 = tpu.memref_slice %arg5[%mul3A_180] : memref<1024xi32, #tpu.memory_space<vmem>> -> memref<16xi32, #tpu.memory_space<vmem>>
          %dma_start3A_182 = arith.constant 0 : i32
          %dma_start3A_183 = arith.constant 0 : i32
          %dma_start3A_184 = tpu.memref_slice %arg2[%dma_start3A_182, %dma_start3A_183] : memref<8192x1024xf32, #tpu.memory_space<hbm>> -> memref<8192x1024xf32, #tpu.memory_space<hbm>>
          tpu.enqueue_indirect_dma source(%dma_start3A_184 : memref<8192x1024xf32, #tpu.memory_space<hbm>>) target(%arg10 : memref<16x1024xf32, #tpu.memory_space<vmem>>) offsets(%dma_start3A_181 : memref<16xi32, #tpu.memory_space<vmem>>) semaphore(%arg16 : memref<!tpu.dma_semaphore, #tpu.memory_space<semaphore_mem>>)
        } else {
        }
        %mul3A_164 = arith.constant 16 : i32
        %mul3A_165 = arith.muli %add3A_35, %mul3A_164 : i32
        %dma_wait3A_166 = tpu.memref_slice %arg5[%mul3A_165] : memref<1024xi32, #tpu.memory_space<vmem>> -> memref<16xi32, #tpu.memory_space<vmem>>
        %dma_wait3A_167 = arith.constant 0 : i32
        %dma_wait3A_168 = arith.constant 0 : i32
        %dma_wait3A_169 = tpu.memref_slice %arg2[%dma_wait3A_167, %dma_wait3A_168] : memref<8192x1024xf32, #tpu.memory_space<hbm>> -> memref<8192x1024xf32, #tpu.memory_space<hbm>>
        tpu.wait_indirect_dma semaphore(%arg12 : memref<!tpu.dma_semaphore, #tpu.memory_space<semaphore_mem>>) src(%dma_wait3A_169 : memref<8192x1024xf32, #tpu.memory_space<hbm>>) dst(%arg6 : memref<16x1024xf32, #tpu.memory_space<vmem>>)
        %mul3A_170 = arith.constant 16 : i32
        %mul3A_171 = arith.muli %add3A_35, %mul3A_170 : i32
        %add3A_172 = arith.addi %mul3A_2, %mul3A_171 : i32
        %dma_start3A_173 = arith.constant 0 : i32
        %dma_start3A_174 = tpu.memref_slice %arg4[%add3A_172, %dma_start3A_173] : memref<32768x1024xf32, #tpu.memory_space<hbm>> -> memref<16x1024xf32, #tpu.memory_space<hbm>>
        %dma_start3A_175 = arith.constant 0 : i32
        %dma_start3A_176 = tpu.memref_slice %arg4[%add3A_172, %dma_start3A_175] : memref<32768x1024xf32, #tpu.memory_space<hbm>> -> memref<16x1024xf32, #tpu.memory_space<hbm>>
        tpu.enqueue_dma source(%arg6 : memref<16x1024xf32, #tpu.memory_space<vmem>>) target(%dma_start3A_176 : memref<16x1024xf32, #tpu.memory_space<hbm>>) target_semaphore(%arg18 : memref<!tpu.dma_semaphore, #tpu.memory_space<semaphore_mem>>)
      } else {
      }
      %jit3A_48 = arith.constant 6 : i32
      %eq3A_49 = arith.constant 0 : i32
      %eq3A_50 = arith.cmpi eq, %jit3A_48, %eq3A_49 : i32
      %jit3A_51 = arith.constant 1 : i32
      %select_n3A_52 = arith.select %eq3A_50, %jit3A_51, %jit3A_48 : i32
      %rem3A_53 = arith.remsi %add3A_35, %select_n3A_52 : i32
      %ne3A_54 = arith.constant 0 : i32
      %ne3A_55 = arith.cmpi ne, %rem3A_53, %ne3A_54 : i32
      %lt3A_56 = arith.constant 0 : i32
      %lt3A_57 = arith.cmpi slt, %rem3A_53, %lt3A_56 : i32
      %lt3A_58 = arith.constant 0 : i32
      %lt3A_59 = arith.cmpi slt, %select_n3A_52, %lt3A_58 : i32
      %ne3A_60 = arith.xori %lt3A_57, %lt3A_59 : i1
      %and3A_61 = arith.andi %ne3A_60, %ne3A_55 : i1
      %add3A_62 = arith.addi %rem3A_53, %select_n3A_52 : i32
      %select_n3A_63 = arith.select %and3A_61, %add3A_62, %rem3A_53 : i32
      %eq3A_64 = arith.constant 1 : i32
      %eq3A_65 = arith.cmpi eq, %select_n3A_63, %eq3A_64 : i32
      %convert_element_type3A_66 = arith.extui %eq3A_65 : i1 to i32
      %cond3A_67 = arith.constant 0 : i32
      %cond3A_68 = arith.cmpi ne, %convert_element_type3A_66, %cond3A_67 : i32
      scf.if %cond3A_68 {
        %ge3A = arith.constant 1 : i32
        %ge3A_153 = arith.cmpi sge, %add3A_35, %ge3A : i32
        %convert_element_type3A_154 = arith.extui %ge3A_153 : i1 to i32
        %cond3A_155 = arith.constant 0 : i32
        %cond3A_156 = arith.cmpi ne, %convert_element_type3A_154, %cond3A_155 : i32
        scf.if %cond3A_156 {
          %sub3A = arith.constant 1 : i32
          %sub3A_177 = arith.subi %add3A_35, %sub3A : i32
          %mul3A_178 = arith.constant 16 : i32
          %mul3A_179 = arith.muli %sub3A_177, %mul3A_178 : i32
          %add3A_180 = arith.addi %mul3A_2, %mul3A_179 : i32
          %dma_wait3A_181 = arith.constant 0 : i32
          %dma_wait3A_182 = tpu.memref_slice %arg4[%add3A_180, %dma_wait3A_181] : memref<32768x1024xf32, #tpu.memory_space<hbm>> -> memref<16x1024xf32, #tpu.memory_space<hbm>>
          %dma_wait3A_183 = arith.constant 0 : i32
          %dma_wait3A_184 = tpu.memref_slice %arg4[%add3A_180, %dma_wait3A_183] : memref<32768x1024xf32, #tpu.memory_space<hbm>> -> memref<16x1024xf32, #tpu.memory_space<hbm>>
          tpu.wait_dma2 semaphore(%arg18 : memref<!tpu.dma_semaphore, #tpu.memory_space<semaphore_mem>>) src(%arg6 : memref<16x1024xf32, #tpu.memory_space<vmem>>) dst(%dma_wait3A_184 : memref<16x1024xf32, #tpu.memory_space<hbm>>)
        } else {
        }
        %add3A_157 = arith.constant 4 : i32
        %add3A_158 = arith.addi %add3A_35, %add3A_157 : i32
        %lt3A_159 = arith.constant 64 : i32
        %lt3A_160 = arith.cmpi slt, %add3A_158, %lt3A_159 : i32
        %convert_element_type3A_161 = arith.extui %lt3A_160 : i1 to i32
        %cond3A_162 = arith.constant 0 : i32
        %cond3A_163 = arith.cmpi ne, %convert_element_type3A_161, %cond3A_162 : i32
        scf.if %cond3A_163 {
          %add3A_177 = arith.constant 4 : i32
          %add3A_178 = arith.addi %add3A_35, %add3A_177 : i32
          %mul3A_179 = arith.constant 16 : i32
          %mul3A_180 = arith.muli %add3A_178, %mul3A_179 : i32
          %dma_start3A_181 = tpu.memref_slice %arg5[%mul3A_180] : memref<1024xi32, #tpu.memory_space<vmem>> -> memref<16xi32, #tpu.memory_space<vmem>>
          %dma_start3A_182 = arith.constant 0 : i32
          %dma_start3A_183 = arith.constant 0 : i32
          %dma_start3A_184 = tpu.memref_slice %arg2[%dma_start3A_182, %dma_start3A_183] : memref<8192x1024xf32, #tpu.memory_space<hbm>> -> memref<8192x1024xf32, #tpu.memory_space<hbm>>
          tpu.enqueue_indirect_dma source(%dma_start3A_184 : memref<8192x1024xf32, #tpu.memory_space<hbm>>) target(%arg11 : memref<16x1024xf32, #tpu.memory_space<vmem>>) offsets(%dma_start3A_181 : memref<16xi32, #tpu.memory_space<vmem>>) semaphore(%arg17 : memref<!tpu.dma_semaphore, #tpu.memory_space<semaphore_mem>>)
        } else {
        }
        %mul3A_164 = arith.constant 16 : i32
        %mul3A_165 = arith.muli %add3A_35, %mul3A_164 : i32
        %dma_wait3A_166 = tpu.memref_slice %arg5[%mul3A_165] : memref<1024xi32, #tpu.memory_space<vmem>> -> memref<16xi32, #tpu.memory_space<vmem>>
        %dma_wait3A_167 = arith.constant 0 : i32
        %dma_wait3A_168 = arith.constant 0 : i32
        %dma_wait3A_169 = tpu.memref_slice %arg2[%dma_wait3A_167, %dma_wait3A_168] : memref<8192x1024xf32, #tpu.memory_space<hbm>> -> memref<8192x1024xf32, #tpu.memory_space<hbm>>
        tpu.wait_indirect_dma semaphore(%arg13 : memref<!tpu.dma_semaphore, #tpu.memory_space<semaphore_mem>>) src(%dma_wait3A_169 : memref<8192x1024xf32, #tpu.memory_space<hbm>>) dst(%arg7 : memref<16x1024xf32, #tpu.memory_space<vmem>>)
        %mul3A_170 = arith.constant 16 : i32
        %mul3A_171 = arith.muli %add3A_35, %mul3A_170 : i32
        %add3A_172 = arith.addi %mul3A_2, %mul3A_171 : i32
        %dma_start3A_173 = arith.constant 0 : i32
        %dma_start3A_174 = tpu.memref_slice %arg4[%add3A_172, %dma_start3A_173] : memref<32768x1024xf32, #tpu.memory_space<hbm>> -> memref<16x1024xf32, #tpu.memory_space<hbm>>
        %dma_start3A_175 = arith.constant 0 : i32
        %dma_start3A_176 = tpu.memref_slice %arg4[%add3A_172, %dma_start3A_175] : memref<32768x1024xf32, #tpu.memory_space<hbm>> -> memref<16x1024xf32, #tpu.memory_space<hbm>>
        tpu.enqueue_dma source(%arg7 : memref<16x1024xf32, #tpu.memory_space<vmem>>) target(%dma_start3A_176 : memref<16x1024xf32, #tpu.memory_space<hbm>>) target_semaphore(%arg18 : memref<!tpu.dma_semaphore, #tpu.memory_space<semaphore_mem>>)
      } else {
      }
      %jit3A_69 = arith.constant 6 : i32
      %eq3A_70 = arith.constant 0 : i32
      %eq3A_71 = arith.cmpi eq, %jit3A_69, %eq3A_70 : i32
      %jit3A_72 = arith.constant 1 : i32
      %select_n3A_73 = arith.select %eq3A_71, %jit3A_72, %jit3A_69 : i32
      %rem3A_74 = arith.remsi %add3A_35, %select_n3A_73 : i32
      %ne3A_75 = arith.constant 0 : i32
      %ne3A_76 = arith.cmpi ne, %rem3A_74, %ne3A_75 : i32
      %lt3A_77 = arith.constant 0 : i32
      %lt3A_78 = arith.cmpi slt, %rem3A_74, %lt3A_77 : i32
      %lt3A_79 = arith.constant 0 : i32
      %lt3A_80 = arith.cmpi slt, %select_n3A_73, %lt3A_79 : i32
      %ne3A_81 = arith.xori %lt3A_78, %lt3A_80 : i1
      %and3A_82 = arith.andi %ne3A_81, %ne3A_76 : i1
      %add3A_83 = arith.addi %rem3A_74, %select_n3A_73 : i32
      %select_n3A_84 = arith.select %and3A_82, %add3A_83, %rem3A_74 : i32
      %eq3A_85 = arith.constant 2 : i32
      %eq3A_86 = arith.cmpi eq, %select_n3A_84, %eq3A_85 : i32
      %convert_element_type3A_87 = arith.extui %eq3A_86 : i1 to i32
      %cond3A_88 = arith.constant 0 : i32
      %cond3A_89 = arith.cmpi ne, %convert_element_type3A_87, %cond3A_88 : i32
      scf.if %cond3A_89 {
        %ge3A = arith.constant 1 : i32
        %ge3A_153 = arith.cmpi sge, %add3A_35, %ge3A : i32
        %convert_element_type3A_154 = arith.extui %ge3A_153 : i1 to i32
        %cond3A_155 = arith.constant 0 : i32
        %cond3A_156 = arith.cmpi ne, %convert_element_type3A_154, %cond3A_155 : i32
        scf.if %cond3A_156 {
          %sub3A = arith.constant 1 : i32
          %sub3A_177 = arith.subi %add3A_35, %sub3A : i32
          %mul3A_178 = arith.constant 16 : i32
          %mul3A_179 = arith.muli %sub3A_177, %mul3A_178 : i32
          %add3A_180 = arith.addi %mul3A_2, %mul3A_179 : i32
          %dma_wait3A_181 = arith.constant 0 : i32
          %dma_wait3A_182 = tpu.memref_slice %arg4[%add3A_180, %dma_wait3A_181] : memref<32768x1024xf32, #tpu.memory_space<hbm>> -> memref<16x1024xf32, #tpu.memory_space<hbm>>
          %dma_wait3A_183 = arith.constant 0 : i32
          %dma_wait3A_184 = tpu.memref_slice %arg4[%add3A_180, %dma_wait3A_183] : memref<32768x1024xf32, #tpu.memory_space<hbm>> -> memref<16x1024xf32, #tpu.memory_space<hbm>>
          tpu.wait_dma2 semaphore(%arg18 : memref<!tpu.dma_semaphore, #tpu.memory_space<semaphore_mem>>) src(%arg7 : memref<16x1024xf32, #tpu.memory_space<vmem>>) dst(%dma_wait3A_184 : memref<16x1024xf32, #tpu.memory_space<hbm>>)
        } else {
        }
        %add3A_157 = arith.constant 4 : i32
        %add3A_158 = arith.addi %add3A_35, %add3A_157 : i32
        %lt3A_159 = arith.constant 64 : i32
        %lt3A_160 = arith.cmpi slt, %add3A_158, %lt3A_159 : i32
        %convert_element_type3A_161 = arith.extui %lt3A_160 : i1 to i32
        %cond3A_162 = arith.constant 0 : i32
        %cond3A_163 = arith.cmpi ne, %convert_element_type3A_161, %cond3A_162 : i32
        scf.if %cond3A_163 {
          %add3A_177 = arith.constant 4 : i32
          %add3A_178 = arith.addi %add3A_35, %add3A_177 : i32
          %mul3A_179 = arith.constant 16 : i32
          %mul3A_180 = arith.muli %add3A_178, %mul3A_179 : i32
          %dma_start3A_181 = tpu.memref_slice %arg5[%mul3A_180] : memref<1024xi32, #tpu.memory_space<vmem>> -> memref<16xi32, #tpu.memory_space<vmem>>
          %dma_start3A_182 = arith.constant 0 : i32
          %dma_start3A_183 = arith.constant 0 : i32
          %dma_start3A_184 = tpu.memref_slice %arg2[%dma_start3A_182, %dma_start3A_183] : memref<8192x1024xf32, #tpu.memory_space<hbm>> -> memref<8192x1024xf32, #tpu.memory_space<hbm>>
          tpu.enqueue_indirect_dma source(%dma_start3A_184 : memref<8192x1024xf32, #tpu.memory_space<hbm>>) target(%arg6 : memref<16x1024xf32, #tpu.memory_space<vmem>>) offsets(%dma_start3A_181 : memref<16xi32, #tpu.memory_space<vmem>>) semaphore(%arg12 : memref<!tpu.dma_semaphore, #tpu.memory_space<semaphore_mem>>)
        } else {
        }
        %mul3A_164 = arith.constant 16 : i32
        %mul3A_165 = arith.muli %add3A_35, %mul3A_164 : i32
        %dma_wait3A_166 = tpu.memref_slice %arg5[%mul3A_165] : memref<1024xi32, #tpu.memory_space<vmem>> -> memref<16xi32, #tpu.memory_space<vmem>>
        %dma_wait3A_167 = arith.constant 0 : i32
        %dma_wait3A_168 = arith.constant 0 : i32
        %dma_wait3A_169 = tpu.memref_slice %arg2[%dma_wait3A_167, %dma_wait3A_168] : memref<8192x1024xf32, #tpu.memory_space<hbm>> -> memref<8192x1024xf32, #tpu.memory_space<hbm>>
        tpu.wait_indirect_dma semaphore(%arg14 : memref<!tpu.dma_semaphore, #tpu.memory_space<semaphore_mem>>) src(%dma_wait3A_169 : memref<8192x1024xf32, #tpu.memory_space<hbm>>) dst(%arg8 : memref<16x1024xf32, #tpu.memory_space<vmem>>)
        %mul3A_170 = arith.constant 16 : i32
        %mul3A_171 = arith.muli %add3A_35, %mul3A_170 : i32
        %add3A_172 = arith.addi %mul3A_2, %mul3A_171 : i32
        %dma_start3A_173 = arith.constant 0 : i32
        %dma_start3A_174 = tpu.memref_slice %arg4[%add3A_172, %dma_start3A_173] : memref<32768x1024xf32, #tpu.memory_space<hbm>> -> memref<16x1024xf32, #tpu.memory_space<hbm>>
        %dma_start3A_175 = arith.constant 0 : i32
        %dma_start3A_176 = tpu.memref_slice %arg4[%add3A_172, %dma_start3A_175] : memref<32768x1024xf32, #tpu.memory_space<hbm>> -> memref<16x1024xf32, #tpu.memory_space<hbm>>
        tpu.enqueue_dma source(%arg8 : memref<16x1024xf32, #tpu.memory_space<vmem>>) target(%dma_start3A_176 : memref<16x1024xf32, #tpu.memory_space<hbm>>) target_semaphore(%arg18 : memref<!tpu.dma_semaphore, #tpu.memory_space<semaphore_mem>>)
      } else {
      }
      %jit3A_90 = arith.constant 6 : i32
      %eq3A_91 = arith.constant 0 : i32
      %eq3A_92 = arith.cmpi eq, %jit3A_90, %eq3A_91 : i32
      %jit3A_93 = arith.constant 1 : i32
      %select_n3A_94 = arith.select %eq3A_92, %jit3A_93, %jit3A_90 : i32
      %rem3A_95 = arith.remsi %add3A_35, %select_n3A_94 : i32
      %ne3A_96 = arith.constant 0 : i32
      %ne3A_97 = arith.cmpi ne, %rem3A_95, %ne3A_96 : i32
      %lt3A_98 = arith.constant 0 : i32
      %lt3A_99 = arith.cmpi slt, %rem3A_95, %lt3A_98 : i32
      %lt3A_100 = arith.constant 0 : i32
      %lt3A_101 = arith.cmpi slt, %select_n3A_94, %lt3A_100 : i32
      %ne3A_102 = arith.xori %lt3A_99, %lt3A_101 : i1
      %and3A_103 = arith.andi %ne3A_102, %ne3A_97 : i1
      %add3A_104 = arith.addi %rem3A_95, %select_n3A_94 : i32
      %select_n3A_105 = arith.select %and3A_103, %add3A_104, %rem3A_95 : i32
      %eq3A_106 = arith.constant 3 : i32
      %eq3A_107 = arith.cmpi eq, %select_n3A_105, %eq3A_106 : i32
      %convert_element_type3A_108 = arith.extui %eq3A_107 : i1 to i32
      %cond3A_109 = arith.constant 0 : i32
      %cond3A_110 = arith.cmpi ne, %convert_element_type3A_108, %cond3A_109 : i32
      scf.if %cond3A_110 {
        %ge3A = arith.constant 1 : i32
        %ge3A_153 = arith.cmpi sge, %add3A_35, %ge3A : i32
        %convert_element_type3A_154 = arith.extui %ge3A_153 : i1 to i32
        %cond3A_155 = arith.constant 0 : i32
        %cond3A_156 = arith.cmpi ne, %convert_element_type3A_154, %cond3A_155 : i32
        scf.if %cond3A_156 {
          %sub3A = arith.constant 1 : i32
          %sub3A_177 = arith.subi %add3A_35, %sub3A : i32
          %mul3A_178 = arith.constant 16 : i32
          %mul3A_179 = arith.muli %sub3A_177, %mul3A_178 : i32
          %add3A_180 = arith.addi %mul3A_2, %mul3A_179 : i32
          %dma_wait3A_181 = arith.constant 0 : i32
          %dma_wait3A_182 = tpu.memref_slice %arg4[%add3A_180, %dma_wait3A_181] : memref<32768x1024xf32, #tpu.memory_space<hbm>> -> memref<16x1024xf32, #tpu.memory_space<hbm>>
          %dma_wait3A_183 = arith.constant 0 : i32
          %dma_wait3A_184 = tpu.memref_slice %arg4[%add3A_180, %dma_wait3A_183] : memref<32768x1024xf32, #tpu.memory_space<hbm>> -> memref<16x1024xf32, #tpu.memory_space<hbm>>
          tpu.wait_dma2 semaphore(%arg18 : memref<!tpu.dma_semaphore, #tpu.memory_space<semaphore_mem>>) src(%arg8 : memref<16x1024xf32, #tpu.memory_space<vmem>>) dst(%dma_wait3A_184 : memref<16x1024xf32, #tpu.memory_space<hbm>>)
        } else {
        }
        %add3A_157 = arith.constant 4 : i32
        %add3A_158 = arith.addi %add3A_35, %add3A_157 : i32
        %lt3A_159 = arith.constant 64 : i32
        %lt3A_160 = arith.cmpi slt, %add3A_158, %lt3A_159 : i32
        %convert_element_type3A_161 = arith.extui %lt3A_160 : i1 to i32
        %cond3A_162 = arith.constant 0 : i32
        %cond3A_163 = arith.cmpi ne, %convert_element_type3A_161, %cond3A_162 : i32
        scf.if %cond3A_163 {
          %add3A_177 = arith.constant 4 : i32
          %add3A_178 = arith.addi %add3A_35, %add3A_177 : i32
          %mul3A_179 = arith.constant 16 : i32
          %mul3A_180 = arith.muli %add3A_178, %mul3A_179 : i32
          %dma_start3A_181 = tpu.memref_slice %arg5[%mul3A_180] : memref<1024xi32, #tpu.memory_space<vmem>> -> memref<16xi32, #tpu.memory_space<vmem>>
          %dma_start3A_182 = arith.constant 0 : i32
          %dma_start3A_183 = arith.constant 0 : i32
          %dma_start3A_184 = tpu.memref_slice %arg2[%dma_start3A_182, %dma_start3A_183] : memref<8192x1024xf32, #tpu.memory_space<hbm>> -> memref<8192x1024xf32, #tpu.memory_space<hbm>>
          tpu.enqueue_indirect_dma source(%dma_start3A_184 : memref<8192x1024xf32, #tpu.memory_space<hbm>>) target(%arg7 : memref<16x1024xf32, #tpu.memory_space<vmem>>) offsets(%dma_start3A_181 : memref<16xi32, #tpu.memory_space<vmem>>) semaphore(%arg13 : memref<!tpu.dma_semaphore, #tpu.memory_space<semaphore_mem>>)
        } else {
        }
        %mul3A_164 = arith.constant 16 : i32
        %mul3A_165 = arith.muli %add3A_35, %mul3A_164 : i32
        %dma_wait3A_166 = tpu.memref_slice %arg5[%mul3A_165] : memref<1024xi32, #tpu.memory_space<vmem>> -> memref<16xi32, #tpu.memory_space<vmem>>
        %dma_wait3A_167 = arith.constant 0 : i32
        %dma_wait3A_168 = arith.constant 0 : i32
        %dma_wait3A_169 = tpu.memref_slice %arg2[%dma_wait3A_167, %dma_wait3A_168] : memref<8192x1024xf32, #tpu.memory_space<hbm>> -> memref<8192x1024xf32, #tpu.memory_space<hbm>>
        tpu.wait_indirect_dma semaphore(%arg15 : memref<!tpu.dma_semaphore, #tpu.memory_space<semaphore_mem>>) src(%dma_wait3A_169 : memref<8192x1024xf32, #tpu.memory_space<hbm>>) dst(%arg9 : memref<16x1024xf32, #tpu.memory_space<vmem>>)
        %mul3A_170 = arith.constant 16 : i32
        %mul3A_171 = arith.muli %add3A_35, %mul3A_170 : i32
        %add3A_172 = arith.addi %mul3A_2, %mul3A_171 : i32
        %dma_start3A_173 = arith.constant 0 : i32
        %dma_start3A_174 = tpu.memref_slice %arg4[%add3A_172, %dma_start3A_173] : memref<32768x1024xf32, #tpu.memory_space<hbm>> -> memref<16x1024xf32, #tpu.memory_space<hbm>>
        %dma_start3A_175 = arith.constant 0 : i32
        %dma_start3A_176 = tpu.memref_slice %arg4[%add3A_172, %dma_start3A_175] : memref<32768x1024xf32, #tpu.memory_space<hbm>> -> memref<16x1024xf32, #tpu.memory_space<hbm>>
        tpu.enqueue_dma source(%arg9 : memref<16x1024xf32, #tpu.memory_space<vmem>>) target(%dma_start3A_176 : memref<16x1024xf32, #tpu.memory_space<hbm>>) target_semaphore(%arg18 : memref<!tpu.dma_semaphore, #tpu.memory_space<semaphore_mem>>)
      } else {
      }
      %jit3A_111 = arith.constant 6 : i32
      %eq3A_112 = arith.constant 0 : i32
      %eq3A_113 = arith.cmpi eq, %jit3A_111, %eq3A_112 : i32
      %jit3A_114 = arith.constant 1 : i32
      %select_n3A_115 = arith.select %eq3A_113, %jit3A_114, %jit3A_111 : i32
      %rem3A_116 = arith.remsi %add3A_35, %select_n3A_115 : i32
      %ne3A_117 = arith.constant 0 : i32
      %ne3A_118 = arith.cmpi ne, %rem3A_116, %ne3A_117 : i32
      %lt3A_119 = arith.constant 0 : i32
      %lt3A_120 = arith.cmpi slt, %rem3A_116, %lt3A_119 : i32
      %lt3A_121 = arith.constant 0 : i32
      %lt3A_122 = arith.cmpi slt, %select_n3A_115, %lt3A_121 : i32
      %ne3A_123 = arith.xori %lt3A_120, %lt3A_122 : i1
      %and3A_124 = arith.andi %ne3A_123, %ne3A_118 : i1
      %add3A_125 = arith.addi %rem3A_116, %select_n3A_115 : i32
      %select_n3A_126 = arith.select %and3A_124, %add3A_125, %rem3A_116 : i32
      %eq3A_127 = arith.constant 4 : i32
      %eq3A_128 = arith.cmpi eq, %select_n3A_126, %eq3A_127 : i32
      %convert_element_type3A_129 = arith.extui %eq3A_128 : i1 to i32
      %cond3A_130 = arith.constant 0 : i32
      %cond3A_131 = arith.cmpi ne, %convert_element_type3A_129, %cond3A_130 : i32
      scf.if %cond3A_131 {
        %ge3A = arith.constant 1 : i32
        %ge3A_153 = arith.cmpi sge, %add3A_35, %ge3A : i32
        %convert_element_type3A_154 = arith.extui %ge3A_153 : i1 to i32
        %cond3A_155 = arith.constant 0 : i32
        %cond3A_156 = arith.cmpi ne, %convert_element_type3A_154, %cond3A_155 : i32
        scf.if %cond3A_156 {
          %sub3A = arith.constant 1 : i32
          %sub3A_177 = arith.subi %add3A_35, %sub3A : i32
          %mul3A_178 = arith.constant 16 : i32
          %mul3A_179 = arith.muli %sub3A_177, %mul3A_178 : i32
          %add3A_180 = arith.addi %mul3A_2, %mul3A_179 : i32
          %dma_wait3A_181 = arith.constant 0 : i32
          %dma_wait3A_182 = tpu.memref_slice %arg4[%add3A_180, %dma_wait3A_181] : memref<32768x1024xf32, #tpu.memory_space<hbm>> -> memref<16x1024xf32, #tpu.memory_space<hbm>>
          %dma_wait3A_183 = arith.constant 0 : i32
          %dma_wait3A_184 = tpu.memref_slice %arg4[%add3A_180, %dma_wait3A_183] : memref<32768x1024xf32, #tpu.memory_space<hbm>> -> memref<16x1024xf32, #tpu.memory_space<hbm>>
          tpu.wait_dma2 semaphore(%arg18 : memref<!tpu.dma_semaphore, #tpu.memory_space<semaphore_mem>>) src(%arg9 : memref<16x1024xf32, #tpu.memory_space<vmem>>) dst(%dma_wait3A_184 : memref<16x1024xf32, #tpu.memory_space<hbm>>)
        } else {
        }
        %add3A_157 = arith.constant 4 : i32
        %add3A_158 = arith.addi %add3A_35, %add3A_157 : i32
        %lt3A_159 = arith.constant 64 : i32
        %lt3A_160 = arith.cmpi slt, %add3A_158, %lt3A_159 : i32
        %convert_element_type3A_161 = arith.extui %lt3A_160 : i1 to i32
        %cond3A_162 = arith.constant 0 : i32
        %cond3A_163 = arith.cmpi ne, %convert_element_type3A_161, %cond3A_162 : i32
        scf.if %cond3A_163 {
          %add3A_177 = arith.constant 4 : i32
          %add3A_178 = arith.addi %add3A_35, %add3A_177 : i32
          %mul3A_179 = arith.constant 16 : i32
          %mul3A_180 = arith.muli %add3A_178, %mul3A_179 : i32
          %dma_start3A_181 = tpu.memref_slice %arg5[%mul3A_180] : memref<1024xi32, #tpu.memory_space<vmem>> -> memref<16xi32, #tpu.memory_space<vmem>>
          %dma_start3A_182 = arith.constant 0 : i32
          %dma_start3A_183 = arith.constant 0 : i32
          %dma_start3A_184 = tpu.memref_slice %arg2[%dma_start3A_182, %dma_start3A_183] : memref<8192x1024xf32, #tpu.memory_space<hbm>> -> memref<8192x1024xf32, #tpu.memory_space<hbm>>
          tpu.enqueue_indirect_dma source(%dma_start3A_184 : memref<8192x1024xf32, #tpu.memory_space<hbm>>) target(%arg8 : memref<16x1024xf32, #tpu.memory_space<vmem>>) offsets(%dma_start3A_181 : memref<16xi32, #tpu.memory_space<vmem>>) semaphore(%arg14 : memref<!tpu.dma_semaphore, #tpu.memory_space<semaphore_mem>>)
        } else {
        }
        %mul3A_164 = arith.constant 16 : i32
        %mul3A_165 = arith.muli %add3A_35, %mul3A_164 : i32
        %dma_wait3A_166 = tpu.memref_slice %arg5[%mul3A_165] : memref<1024xi32, #tpu.memory_space<vmem>> -> memref<16xi32, #tpu.memory_space<vmem>>
        %dma_wait3A_167 = arith.constant 0 : i32
        %dma_wait3A_168 = arith.constant 0 : i32
        %dma_wait3A_169 = tpu.memref_slice %arg2[%dma_wait3A_167, %dma_wait3A_168] : memref<8192x1024xf32, #tpu.memory_space<hbm>> -> memref<8192x1024xf32, #tpu.memory_space<hbm>>
        tpu.wait_indirect_dma semaphore(%arg16 : memref<!tpu.dma_semaphore, #tpu.memory_space<semaphore_mem>>) src(%dma_wait3A_169 : memref<8192x1024xf32, #tpu.memory_space<hbm>>) dst(%arg10 : memref<16x1024xf32, #tpu.memory_space<vmem>>)
        %mul3A_170 = arith.constant 16 : i32
        %mul3A_171 = arith.muli %add3A_35, %mul3A_170 : i32
        %add3A_172 = arith.addi %mul3A_2, %mul3A_171 : i32
        %dma_start3A_173 = arith.constant 0 : i32
        %dma_start3A_174 = tpu.memref_slice %arg4[%add3A_172, %dma_start3A_173] : memref<32768x1024xf32, #tpu.memory_space<hbm>> -> memref<16x1024xf32, #tpu.memory_space<hbm>>
        %dma_start3A_175 = arith.constant 0 : i32
        %dma_start3A_176 = tpu.memref_slice %arg4[%add3A_172, %dma_start3A_175] : memref<32768x1024xf32, #tpu.memory_space<hbm>> -> memref<16x1024xf32, #tpu.memory_space<hbm>>
        tpu.enqueue_dma source(%arg10 : memref<16x1024xf32, #tpu.memory_space<vmem>>) target(%dma_start3A_176 : memref<16x1024xf32, #tpu.memory_space<hbm>>) target_semaphore(%arg18 : memref<!tpu.dma_semaphore, #tpu.memory_space<semaphore_mem>>)
      } else {
      }
      %jit3A_132 = arith.constant 6 : i32
      %eq3A_133 = arith.constant 0 : i32
      %eq3A_134 = arith.cmpi eq, %jit3A_132, %eq3A_133 : i32
      %jit3A_135 = arith.constant 1 : i32
      %select_n3A_136 = arith.select %eq3A_134, %jit3A_135, %jit3A_132 : i32
      %rem3A_137 = arith.remsi %add3A_35, %select_n3A_136 : i32
      %ne3A_138 = arith.constant 0 : i32
      %ne3A_139 = arith.cmpi ne, %rem3A_137, %ne3A_138 : i32
      %lt3A_140 = arith.constant 0 : i32
      %lt3A_141 = arith.cmpi slt, %rem3A_137, %lt3A_140 : i32
      %lt3A_142 = arith.constant 0 : i32
      %lt3A_143 = arith.cmpi slt, %select_n3A_136, %lt3A_142 : i32
      %ne3A_144 = arith.xori %lt3A_141, %lt3A_143 : i1
      %and3A_145 = arith.andi %ne3A_144, %ne3A_139 : i1
      %add3A_146 = arith.addi %rem3A_137, %select_n3A_136 : i32
      %select_n3A_147 = arith.select %and3A_145, %add3A_146, %rem3A_137 : i32
      %eq3A_148 = arith.constant 5 : i32
      %eq3A_149 = arith.cmpi eq, %select_n3A_147, %eq3A_148 : i32
      %convert_element_type3A_150 = arith.extui %eq3A_149 : i1 to i32
      %cond3A_151 = arith.constant 0 : i32
      %cond3A_152 = arith.cmpi ne, %convert_element_type3A_150, %cond3A_151 : i32
      scf.if %cond3A_152 {
        %ge3A = arith.constant 1 : i32
        %ge3A_153 = arith.cmpi sge, %add3A_35, %ge3A : i32
        %convert_element_type3A_154 = arith.extui %ge3A_153 : i1 to i32
        %cond3A_155 = arith.constant 0 : i32
        %cond3A_156 = arith.cmpi ne, %convert_element_type3A_154, %cond3A_155 : i32
        scf.if %cond3A_156 {
          %sub3A = arith.constant 1 : i32
          %sub3A_177 = arith.subi %add3A_35, %sub3A : i32
          %mul3A_178 = arith.constant 16 : i32
          %mul3A_179 = arith.muli %sub3A_177, %mul3A_178 : i32
          %add3A_180 = arith.addi %mul3A_2, %mul3A_179 : i32
          %dma_wait3A_181 = arith.constant 0 : i32
          %dma_wait3A_182 = tpu.memref_slice %arg4[%add3A_180, %dma_wait3A_181] : memref<32768x1024xf32, #tpu.memory_space<hbm>> -> memref<16x1024xf32, #tpu.memory_space<hbm>>
          %dma_wait3A_183 = arith.constant 0 : i32
          %dma_wait3A_184 = tpu.memref_slice %arg4[%add3A_180, %dma_wait3A_183] : memref<32768x1024xf32, #tpu.memory_space<hbm>> -> memref<16x1024xf32, #tpu.memory_space<hbm>>
          tpu.wait_dma2 semaphore(%arg18 : memref<!tpu.dma_semaphore, #tpu.memory_space<semaphore_mem>>) src(%arg10 : memref<16x1024xf32, #tpu.memory_space<vmem>>) dst(%dma_wait3A_184 : memref<16x1024xf32, #tpu.memory_space<hbm>>)
        } else {
        }
        %add3A_157 = arith.constant 4 : i32
        %add3A_158 = arith.addi %add3A_35, %add3A_157 : i32
        %lt3A_159 = arith.constant 64 : i32
        %lt3A_160 = arith.cmpi slt, %add3A_158, %lt3A_159 : i32
        %convert_element_type3A_161 = arith.extui %lt3A_160 : i1 to i32
        %cond3A_162 = arith.constant 0 : i32
        %cond3A_163 = arith.cmpi ne, %convert_element_type3A_161, %cond3A_162 : i32
        scf.if %cond3A_163 {
          %add3A_177 = arith.constant 4 : i32
          %add3A_178 = arith.addi %add3A_35, %add3A_177 : i32
          %mul3A_179 = arith.constant 16 : i32
          %mul3A_180 = arith.muli %add3A_178, %mul3A_179 : i32
          %dma_start3A_181 = tpu.memref_slice %arg5[%mul3A_180] : memref<1024xi32, #tpu.memory_space<vmem>> -> memref<16xi32, #tpu.memory_space<vmem>>
          %dma_start3A_182 = arith.constant 0 : i32
          %dma_start3A_183 = arith.constant 0 : i32
          %dma_start3A_184 = tpu.memref_slice %arg2[%dma_start3A_182, %dma_start3A_183] : memref<8192x1024xf32, #tpu.memory_space<hbm>> -> memref<8192x1024xf32, #tpu.memory_space<hbm>>
          tpu.enqueue_indirect_dma source(%dma_start3A_184 : memref<8192x1024xf32, #tpu.memory_space<hbm>>) target(%arg9 : memref<16x1024xf32, #tpu.memory_space<vmem>>) offsets(%dma_start3A_181 : memref<16xi32, #tpu.memory_space<vmem>>) semaphore(%arg15 : memref<!tpu.dma_semaphore, #tpu.memory_space<semaphore_mem>>)
        } else {
        }
        %mul3A_164 = arith.constant 16 : i32
        %mul3A_165 = arith.muli %add3A_35, %mul3A_164 : i32
        %dma_wait3A_166 = tpu.memref_slice %arg5[%mul3A_165] : memref<1024xi32, #tpu.memory_space<vmem>> -> memref<16xi32, #tpu.memory_space<vmem>>
        %dma_wait3A_167 = arith.constant 0 : i32
        %dma_wait3A_168 = arith.constant 0 : i32
        %dma_wait3A_169 = tpu.memref_slice %arg2[%dma_wait3A_167, %dma_wait3A_168] : memref<8192x1024xf32, #tpu.memory_space<hbm>> -> memref<8192x1024xf32, #tpu.memory_space<hbm>>
        tpu.wait_indirect_dma semaphore(%arg17 : memref<!tpu.dma_semaphore, #tpu.memory_space<semaphore_mem>>) src(%dma_wait3A_169 : memref<8192x1024xf32, #tpu.memory_space<hbm>>) dst(%arg11 : memref<16x1024xf32, #tpu.memory_space<vmem>>)
        %mul3A_170 = arith.constant 16 : i32
        %mul3A_171 = arith.muli %add3A_35, %mul3A_170 : i32
        %add3A_172 = arith.addi %mul3A_2, %mul3A_171 : i32
        %dma_start3A_173 = arith.constant 0 : i32
        %dma_start3A_174 = tpu.memref_slice %arg4[%add3A_172, %dma_start3A_173] : memref<32768x1024xf32, #tpu.memory_space<hbm>> -> memref<16x1024xf32, #tpu.memory_space<hbm>>
        %dma_start3A_175 = arith.constant 0 : i32
        %dma_start3A_176 = tpu.memref_slice %arg4[%add3A_172, %dma_start3A_175] : memref<32768x1024xf32, #tpu.memory_space<hbm>> -> memref<16x1024xf32, #tpu.memory_space<hbm>>
        tpu.enqueue_dma source(%arg11 : memref<16x1024xf32, #tpu.memory_space<vmem>>) target(%dma_start3A_176 : memref<16x1024xf32, #tpu.memory_space<hbm>>) target_semaphore(%arg18 : memref<!tpu.dma_semaphore, #tpu.memory_space<semaphore_mem>>)
      } else {
      }
    }
    %scan3A_25 = arith.constant 64 : i32
    %add3A_26 = arith.constant 1008 : i32
    %add3A_27 = arith.addi %mul3A_2, %add3A_26 : i32
    %dma_wait3A = arith.constant 0 : i32
    %dma_wait3A_28 = tpu.memref_slice %arg4[%add3A_27, %dma_wait3A] : memref<32768x1024xf32, #tpu.memory_space<hbm>> -> memref<16x1024xf32, #tpu.memory_space<hbm>>
    %dma_wait3A_29 = arith.constant 0 : i32
    %dma_wait3A_30 = tpu.memref_slice %arg4[%add3A_27, %dma_wait3A_29] : memref<32768x1024xf32, #tpu.memory_space<hbm>> -> memref<16x1024xf32, #tpu.memory_space<hbm>>
    tpu.wait_dma2 semaphore(%arg18 : memref<!tpu.dma_semaphore, #tpu.memory_space<semaphore_mem>>) src(%arg9 : memref<16x1024xf32, #tpu.memory_space<vmem>>) dst(%dma_wait3A_30 : memref<16x1024xf32, #tpu.memory_space<hbm>>)
    return
  }
}

</mosaic_0001>

<sc_bundles>
// kernel: kernel.3.cloned.1.call-start
scs
__scs_entry_jumppad:
0x0: {  	(pc) =	sbr.rel $0x88, $3  }
0x1: {  	(tag) =	ssettag $0x0;
	lr =	simm.s32 $0x1  }
0x2: {  	[smem:$0x3F9F] =	sst lr;
	_ =	strace $0xD0000000  }
0x3: {  	_ = 	snop  }
0x4: {  	_ = 	snop  }
0x5: {  	_ = 	snop  }
0x6: {  	_ = 	snop  }
0x7: {  	_ = 	snop  }
__scs_overlays_trampoline_lowered:
0x8: {  	[smem:$0x3FAE] =	sst s0  }
0x9: {  	[smem:$0x3FAF] =	sst s1  }
0xa: {  	[smem:$0x3FB0] =	sst s2  }
0xb: {  	[smem:$0x3FB1] =	sst s3  }
0xc: {  	[smem:$0x3FB2] =	sst s4  }
0xd: {  	[smem:$0x3FB3] =	sst s5  }
0xe: {  	[smem:$0x3FB4] =	sst s6  }
0xf: {  	[smem:$0x3FB5] =	sst s7  }
0x10: {  	[smem:$0x3FB6] =	sst s8  }
0x11: {  	[smem:$0x3FB7] =	sst s9;
	s0 =	simm.s32 @!p0 $0x0  }
0x12: {  	s1 =	sld [smem:$0x3F9D];
	s0 =	simm.s32 @p0 $0x1  }
0x13: {  	[smem:$0x3FB8] =	sst s0;
	s0 =	simm.s32 @!p1 $0x0  }
0x14: {  	s2 =	sld [smem:$0x3F9C];
	s0 =	simm.s32 @p1 $0x1  }
0x15: {  	[smem:$0x3FB9] =	sst s0;
	s0 =	simm.s32 @!p2 $0x0  }
0x16: {  	s3 =	sld [smem:$0x3FDB];
	s0 =	simm.s32 @p2 $0x1  }
0x17: {  	s4 =	simm.s32 $0x1BF5;
	[smem:$0x3FBB] =	sst s0  }
0x18: {  	s0 =	sld [smem:$0x3F9E];
	_ =	swait.ge [sflag:s4], $0x0  }
0x19: {  	s7 =	sld [smem:$0x3F9F]  }
0x1a: {  	s8 =	sadd.s32 $0xFFFFE003, lr  }
0x1b: {  	s9 =	sadd.s32 $0xFFFFFEF7, lr;
	s5 =	simm.s32 $0xFFFFFFFF;
	p2 =	slt.u32 s8, $0xFFFFF086  }
0x1c: {  	p1 =	slt.u32 s9, $0xF7A;
	s5 =	simm.s32 @!p2 $0x0  }
0x1d: {  	s5 =	simm.s32 @p1 $0x1;
	p0 =	seq.s32 s7, s2  }
0x1e: {  	s7 =	smul.u32 @!p0 $0xF7A, s2;
	p2 =	seq.s32 @!p0 s5, $0x0  }
0x1f: {  	s9 =	smul.u32 $0xF7A, s1;
	s8 =	simm.s32 @!p0 $0x1BF5;
	p2 =	por !p2, p0  }
0x20: {  	[sflag:s8] =	ssyncset.s32 @!p0 $0xFFFFF086;
	s6 =	sadd.s32 @!p0 s3, s7;
	s7 =	simm.s32 @!p0 $0x108  }
0x21: {  	s3 =	sadd.s32 s3, s9;
	s6 =	sadd.s32 @!p0 $0x88, s6;
	s7 =	simm.s32 @p2 $0x1082  }
0x22: {  	[simem:s7], [sflag:s8] =	dma.local @!p0 [hbm:s6], $0xF7A  }
0x23: {  	s9 =	sor.u32 $0xD0000000, s2;
	s6 =	simm.s32 $0x108;
	_ =	swait.ge @!p0 [sflag:s8], $0x0  }
0x24: {  	s3 =	sadd.s32 $0x88, s3;
	s6 =	simm.s32 @!p1 $0x1082;
	[sflag:s4] =	ssyncset.s32 $0xFFFFF086  }
0x25: {  	[simem:s6], [sflag:s4] =	dma.local [hbm:s3], $0xF7A  }
0x26: {  	[smem:$0x3F9F] =	sst s1;
	(tag) =	ssettag s2;
	_ =	strace s9  }
0x27: {  	s1 =	sld [smem:$0x3FAF]  }
0x28: {  	s2 =	sld [smem:$0x3FB0]  }
0x29: {  	s4 =	sld [smem:$0x3FB2]  }
0x2a: {  	p0 =	seq.s32 s5, $0x0;
	s5 =	sld [smem:$0x3FB3]  }
0x2b: {  	s6 =	sld [smem:$0x3FB4]  }
0x2c: {  	s7 =	sld [smem:$0x3FB5]  }
0x2d: {  	s3 =	simm.s32 $0x108;
	s8 =	sld [smem:$0x3FB6]  }
0x2e: {  	s3 =	simm.s32 @!p0 $0x1082;
	s9 =	sld [smem:$0x3FB7]  }
0x2f: {  	lr =	sadd.s32 s0, s3;
	s0 =	sld [smem:$0x3FAE]  }
0x30: {  	s3 =	sld [smem:$0x3FB1]  }
0x31: {  	[smem:$0x3FBA] =	sst s10  }
0x32: {  	s10 =	sld [smem:$0x3FB8];
	_ =	sdelay $0x3  }
0x33: {  	p0 =	seq.s32 s10, $0x1;
	s10 =	sld [smem:$0x3FBA];
	_ =	sdelay $0x3  }
0x34: {  	[smem:$0x3FBA] =	sst s10  }
0x35: {  	s10 =	sld [smem:$0x3FB9];
	_ =	sdelay $0x3  }
0x36: {  	p1 =	seq.s32 s10, $0x1;
	s10 =	sld [smem:$0x3FBA];
	_ =	sdelay $0x3  }
0x37: {  	[smem:$0x3FBA] =	sst s10  }
0x38: {  	s10 =	sld [smem:$0x3FBB]  }
0x39: {  	_ = 	snop;
	(pc) =	sbr.ind lr, $3  }
0x3a: {  	_ = 	snop  }
0x3b: {  	_ = 	snop  }
0x3c: {  	p2 =	seq.s32 s10, $0x1;
	s10 =	sld [smem:$0x3FBA]  }
0x3d: {  	_ =	shalt  }
0x3e: {  	_ =	shalt  }
0x3f: {  	_ =	shalt  }
0x40: {  	_ =	shalt  }
0x41: {  	_ =	shalt  }
0x42: {  	_ =	shalt  }
0x43: {  	_ =	shalt  }
0x44: {  	_ =	shalt  }
0x45: {  	_ =	shalt  }
0x46: {  	_ =	shalt  }
0x47: {  	_ =	shalt  }
0x48: {  	_ =	shalt  }
0x49: {  	_ =	shalt  }
0x4a: {  	_ =	shalt  }
0x4b: {  	_ =	shalt  }
0x4c: {  	_ =	shalt  }
0x4d: {  	_ =	shalt  }
0x4e: {  	_ =	shalt  }
0x4f: {  	_ =	shalt  }
0x50: {  	_ =	shalt  }
0x51: {  	_ =	shalt  }
0x52: {  	_ =	shalt  }
0x53: {  	_ =	shalt  }
0x54: {  	_ =	shalt  }
0x55: {  	_ =	shalt  }
0x56: {  	_ =	shalt  }
0x57: {  	_ =	shalt  }
0x58: {  	_ =	shalt  }
0x59: {  	_ =	shalt  }
0x5a: {  	_ =	shalt  }
0x5b: {  	_ =	shalt  }
0x5c: {  	_ =	shalt  }
0x5d: {  	_ =	shalt  }
0x5e: {  	_ =	shalt  }
0x5f: {  	_ =	shalt  }
0x60: {  	_ =	shalt  }
0x61: {  	_ =	shalt  }
0x62: {  	_ =	shalt  }
0x63: {  	_ =	shalt  }
0x64: {  	_ =	shalt  }
0x65: {  	_ =	shalt  }
0x66: {  	_ =	shalt  }
0x67: {  	_ =	shalt  }
0x68: {  	_ =	shalt  }
0x69: {  	_ =	shalt  }
0x6a: {  	_ =	shalt  }
0x6b: {  	_ =	shalt  }
0x6c: {  	_ =	shalt  }
0x6d: {  	_ =	shalt  }
0x6e: {  	_ =	shalt  }
0x6f: {  	_ =	shalt  }
0x70: {  	_ =	shalt  }
0x71: {  	_ =	shalt  }
0x72: {  	_ =	shalt  }
0x73: {  	_ =	shalt  }
0x74: {  	_ =	shalt  }
0x75: {  	_ =	shalt  }
0x76: {  	_ =	shalt  }
0x77: {  	_ =	shalt  }
0x78: {  	_ =	shalt  }
0x79: {  	_ =	shalt  }
0x7a: {  	_ =	shalt  }
0x7b: {  	_ =	shalt  }
0x7c: {  	_ =	shalt  }
0x7d: {  	_ =	shalt  }
0x7e: {  	_ =	shalt  }
0x7f: {  	_ =	shalt  }
0x80: {  	_ =	shalt  }
0x81: {  	_ =	shalt  }
0x82: {  	_ =	shalt  }
0x83: {  	_ =	shalt  }
0x84: {  	_ =	shalt  }
0x85: {  	_ =	shalt  }
0x86: {  	_ =	shalt  }
0x87: {  	_ =	shalt  }
.Lfunc_end0:
.L_simem_size_0:
called_computation_lowered:
.L_overlay_start_0:
0x88: {  	s2 =	sld [smem:$0x3FD9]  }
0x89: {  	s3 =	sld [smem:$0x3FFE];
	_ =	sdelay $0x1  }
0x8a: {  	s1 =	srdreg.scid  }
0x8b: {  	s0 =	sand.u32 $0x1, s1  }
0x8c: {  	s17 =	sshll.u32 s0, $0xA;
	s2 =	sadd.s32 s3, s2  }
0x8d: {  	s2 =	sadd.s32 s2, s17  }
0x8e: {  	[smem:$0x3FC6] =	sst s2  }
0x8f: {  	_ = 	snop  }
0x90: {  	s2 =	sld [smem:$0x3FC8]  }
0x91: {  	s18 =	sld [smem:$0x3FD0];
	(tm) =	ssettm $0x1  }
0x92: {  	s4 =	sld [smem:$0x3FFB];
	_ =	sdelay $0x3  }
0x93: {  	_ =	strace s4  }
0x94: {  	s4 =	sld [smem:$0x3FFC];
	_ =	sdelay $0x3  }
0x95: {  	_ =	strace s4  }
0x96: {  	s4 =	sld [smem:$0x3FFD];
	_ =	sdelay $0x3  }
0x97: {  	_ =	strace s4  }
0x98: {  	_ =	strace $0x8FFFFFFF  }
0x99: {  	s19 =	sld [smem:$0x3FDB];
	_ =	sdelay $0x1  }
0x9a: {  	s5 =	simm.s32 $_scs_section_size  }
0x9b: {  	s6 =	simm.s32 $_size__tile_overlayer_lowered;
	s7 =	simm.s32 $_tile_overlayer_lowered  }
0x9c: {  	s22 =	simm.s32 $0x1BFF;
	s21 =	sshll.u32 s7, $0x1;
	s4 =	sadd.s32 s5, s19  }
0x9d: {  	s8 =	simm.s32 $0x0;
	s20 =	sshll.u32 s6, $0x1;
	s6 =	sadd.s32 s21, s4  }
0x9e: {  	[timem:s8], [sflag:s22] =	dma.local [hbm:s6], s20  }
0x9f: {  	_ =	swait.ge [sflag:s22], s20  }
0xa0: {  	s5 =	ssub.s32 $0x0, s20;
	[sflag:s22] =	ssyncset.done $0x0  }
0xa1: {  	[sflag:s22] =	ssyncadd.s32 s5;
	_ =	sdelay $0x1  }
0xa2: {  	s23 =	simm.s32 $0x1B8B  }
0xa3: {  	_ =	swait.ge [sflag:s23], $0x1  }
0xa4: {  	[sflag:s23] =	ssyncset.done $0x0  }
0xa5: {  	s25 =	simm.s32 $0x1B8E;
	s24 =	sld [smem:$0x3FFE];
	[sflag:s23] =	ssyncadd.s32 $0xFFFFFFFF  }
0xa6: {  	s26 =	simm.s32 $execute0_lowered;
	[smem:$0x3FD2] =	sst s25  }
0xa7: {  	s6 =	sshll.u32 s26, $0x1;
	_ =	strace $0x80000046;
	[dreg:$0x1] =	wrdreg $0xFFFFFFFF  }
0xa8: {  	s28 =	simm.s32 $_size_execute0_lowered;
	s4 =	sadd.s32 s4, s6;
	[dreg:$0x0] =	wrdreg $0x0  }
0xa9: {  	s6 =	sshll.u32 s28, $0x1;
	[dreg:$0x2] =	wrdreg s4  }
0xaa: {  	[dreg:$0x3] =	wrdreg s6  }
0xab: {  	[dreg:$0x4] =	wrdreg $0xC0  }
0xac: {  	_ =	task [dreg:s8], $0x5FFFF  }
0xad: {  	[dreg:$0x1] =	wrdreg $0xFFFFFFFF  }
0xae: {  	[dreg:$0x0] =	wrdreg $0x60  }
0xaf: {  	[dreg:$0x2] =	wrdreg s2  }
0xb0: {  	[dreg:$0x3] =	wrdreg s24  }
0xb1: {  	[dreg:$0x4] =	wrdreg s18  }
0xb2: {  	[dreg:$0x5] =	wrdreg $0x9  }
0xb3: {  	_ =	task.clear_ibuf [dreg:s8], $0x6FFFF;
	_ =	strace $0x90000046  }
0xb4: {  	s29 =	simm.s32 $0x9;
	_ =	strace $0x80000048  }
0xb5: {  	_ =	swait.ge [sflag:s29], $0x1  }
0xb6: {  	[sflag:s29] =	ssyncadd.s32 $0xFFFFFFFF  }
0xb7: {  	_ =	strace $0x90000048  }
0xb8: {  	_ =	sfence  }
0xb9: {  	s30 =	sld [smem:$0x0];
	_ =	sdelay $0x2  }
0xba: {  	s31 =	sshll.u32 s1, $0xD;
	s1 =	sshrl.u32 s1, $0x2  }
0xbb: {  	s3 =	sand.u32 $0x4000, s31;
	s1 =	sadd.s32 s1, s30  }
0xbc: {  	s0 =	sor.u32 s3, s0;
	s1 =	sshll.u32 s1, $0x11  }
0xbd: {  	s0 =	sor.u32 s1, s0  }
0xbe: {  	s0 =	sadd.s32 $0x8F2B, s0  }
0xbf: {  	[sflag:s0] =	ssyncadd.remote.s32 $0x1  }
0xc0: {  	_ =	sfence.sel $0xFFFF  }
0xc1: {  	[dreg:$0x0] =	wrdreg $0xFFFFFFFF;
	(pc) =	sbr.abs _section_cstart, $3  }
0xc2: {  	[dreg:$0x1] =	wrdreg $0xFFFFFFFF  }
0xc3: {  	_ =	task.clear_ibuf [dreg:s8], $0x2FFFF;
	_ =	strace $0x9FFFFFFF  }
0xc4: {  	(tm) =	ssettm $0x7FFFFFFF  }
0xc5: {  	_ =	shalt  }
tec
execute0_lowered:
.L_overlay_start_1:
0x0: {  	(tag) =	ssettag $0x1  }
0x1: {  	s1 =	rddreg [dreg:$0x0];
	s0 =	srdreg.scid  }
0x2: {  	s2 =	rddreg [dreg:$0x1];
	s7 =	stileid.u32  }
0x3: {  	s8 =	rddreg [dreg:$0x2];
	s10 =	simm.s32 $0x8;
	s16 =	simm.s32 $0xDC00  }
0x4: {  	s17 =	simm.s32 $0xE400;
	s18 =	simm.s32 $0xEC00;
	s19 =	simm.s32 $0xF400  }
0x5: {  	s20 =	simm.s32 $0xFC00;
	s21 =	simm.s32 $0x10400;
	s22 =	simm.s32 $0x10C00  }
0x6: {  	s23 =	simm.s32 $0x11400;
	s24 =	simm.s32 $0x11C00;
	s28 =	simm.s32 $0x13400  }
0x7: {  	s29 =	simm.s32 $0x13C00;
	s30 =	simm.s32 $0x7;
	s31 =	simm.s32 $0x0  }
0x8: {  	s0 =	sand.u32 $0x1, s0;
	s3 =	sshll.u32 s7, $0xB;
	s6 =	sadd.s32 $0x200, s1  }
0x9: {  	s26 =	sshll.u32 s7, $0x12;
	s7 =	sadd.s32 $0x300, s1;
	s4 =	sshll.u32 s0, $0xA  }
0xa: {  	s5 =	ssub.s32 $0x2, s0;
	s0 =	sshll.u32 s0, $0x11;
	s4 =	sor.u32 s4, s3  }
.Ltmp0:
0xb: {  	s3 =	simm.s32 $0x0;
	s25 =	sshrl.u32 s5, $0x1;
	(pc) =	sbr.rel .LBB2_1-.Ltmp0, $4  }
0xc: {  	s4 =	sshrl.u32 s4, $0x3;
	[smem:$0x7FF] =	sst s3;
	s9 =	ssub.s32 s5, s25  }
0xd: {  	v2 =	vlaneseq.u32;
	s5 =	sadd.s32 $0x100, s1;
	s25 =	simm.s32 $0x12400;
	s2 =	sadd.s32 s4, s2  }
0xe: {  	vm0 =	vmmov $0xffff;
	v1 =	vshrl.u32 v2, $0x3;
	_ =	strace $0x80000047;
	s4 =	sadd.s32 $0x400, s2;
	s2 =	sadd.s32 s26, s8  }
0xf: {  	v0 =	vand.u32 $0x7, v2;
	v2 =	vor.u32 $0x8, v2;
	v1 =	vmul.u32 $0x8, v1;
	s8 =	smax.u32 s9, $0x1;
	s26 =	simm.s32 $0x12C00;
	s0 =	sadd.s32 s0, s2  }
.LBB2_12:
0x10: {  	s31 =	sadd.s32 $0x1, s31  }
0x11: {  	p0 =	sne.s32 s31, s8  }
.Ltmp1:
0x12: {  	_ = 	snop;
	(pc) =	sbr.rel @!p0 .LBB2_13-.Ltmp1, $4  }
0x13: {  	_ = 	snop  }
0x14: {  	_ =	swait.ge [sflag:s30], $0x4000  }
0x15: {  	[sflag:s30] =	ssyncset.done $0x0  }
0x16: {  	[sflag:s30] =	ssyncadd.s32 $0xFFFFC000  }
.LBB2_1:
0x17: {  	[tilespmem:s3], [sflag:$0x8] =	stream.linear.gather [hbm4b:s4+s3], $0x400, $0x38;
	[tilespmem:$0x18400] =	vst v63  }
0x18: {  	_ =	swait.ge [sflag:s10], $0x400  }
0x19: {  	[sflag:s10] =	ssyncset.done $0x0  }
0x1a: {  	[sflag:s10] =	ssyncadd.s32 $0xFFFFFC00  }
0x1b: {  	v3 =	vld [tilespmem:$0x0];
	_ =	sdelay $0x4  }
0x1c: {  	v4 =	vshll.u32 v3, $0x3  }
0x1d: {  	v3 =	vand.u32 $0x7, v3;
	v4 =	vand.u32 $0xFFFFFFC0, v4  }
0x1e: {  	v3 =	vor.u32 v3, v4  }
0x1f: {  	v4 =	vperm.xlane v3, v0;
	_ =	sdelay $0x1  }
0x20: {  	v4 =	vadd.s32 v1, v4;
	_ =	sdelay $0x3  }
0x21: {  	s2 =	simm.s32 $0x400  }
0x22: {  	[tilespmem:s2], [sflag:$0x1] =	stream.indirect_vreg.gather [hbm4b:s1+s3], $0x80, v4, vm0, $0xb8;
	[tilespmem:$0x18400] =	vst v63  }
0x23: {  	s14 =	simm.s32 $0xC00;
	v3 =	vperm.xlane v3, v2  }
0x24: {  	[tilespmem:s14], [sflag:$0x1] =	stream.indirect_vreg.gather [hbm4b:s5+s3], $0x80, v4, vm0, $0xb8;
	[tilespmem:$0x18400] =	vst v63  }
0x25: {  	s15 =	simm.s32 $0x1400;
	v3 =	vadd.s32 v1, v3  }
0x26: {  	[tilespmem:s15], [sflag:$0x1] =	stream.indirect_vreg.gather [hbm4b:s6+s3], $0x80, v4, vm0, $0xb8;
	[tilespmem:$0x18400] =	vst v63  }
0x27: {  	s9 =	simm.s32 $0x1C00  }
0x28: {  	[tilespmem:s9], [sflag:$0x1] =	stream.indirect_vreg.gather [hbm4b:s7+s3], $0x80, v4, vm0, $0xb8;
	[tilespmem:$0x18400] =	vst v63  }
0x29: {  	s11 =	simm.s32 $0x2400  }
0x2a: {  	[tilespmem:s11], [sflag:$0x1] =	stream.indirect_vreg.gather [hbm4b:s1+s3], $0x80, v3, vm0, $0xb8;
	[tilespmem:$0x18400] =	vst v63  }
0x2b: {  	s12 =	simm.s32 $0x2C00  }
0x2c: {  	[tilespmem:s12], [sflag:$0x1] =	stream.indirect_vreg.gather [hbm4b:s5+s3], $0x80, v3, vm0, $0xb8;
	[tilespmem:$0x18400] =	vst v63  }
0x2d: {  	s13 =	simm.s32 $0x3400  }
0x2e: {  	[tilespmem:s13], [sflag:$0x1] =	stream.indirect_vreg.gather [hbm4b:s6+s3], $0x80, v3, vm0, $0xb8;
	[tilespmem:$0x18400] =	vst v63  }
0x2f: {  	s14 =	simm.s32 $0x3C00  }
0x30: {  	[tilespmem:s14], [sflag:$0x1] =	stream.indirect_vreg.gather [hbm4b:s7+s3], $0x80, v3, vm0, $0xb8;
	[tilespmem:$0x18400] =	vst v63  }
0x31: {  	v3 =	vld [tilespmem:$0x10];
	_ =	sdelay $0x4  }
0x32: {  	v61 =	vshll.u32 v3, $0x3  }
0x33: {  	v3 =	vand.u32 $0x7, v3;
	v4 =	vand.u32 $0xFFFFFFC0, v61  }
0x34: {  	v3 =	vor.u32 v3, v4  }
0x35: {  	v4 =	vperm.xlane v3, v0;
	_ =	sdelay $0x1  }
0x36: {  	v4 =	vadd.s32 v1, v4;
	_ =	sdelay $0x3  }
0x37: {  	s15 =	simm.s32 $0x4400  }
0x38: {  	[tilespmem:s15], [sflag:$0x2] =	stream.indirect_vreg.gather [hbm4b:s1+s3], $0x80, v4, vm0, $0xb8;
	[tilespmem:$0x18400] =	vst v63  }
0x39: {  	s9 =	simm.s32 $0x4C00;
	v3 =	vperm.xlane v3, v2  }
0x3a: {  	[tilespmem:s9], [sflag:$0x2] =	stream.indirect_vreg.gather [hbm4b:s5+s3], $0x80, v4, vm0, $0xb8;
	[tilespmem:$0x18400] =	vst v63  }
0x3b: {  	s11 =	simm.s32 $0x5400;
	v3 =	vadd.s32 v1, v3  }
0x3c: {  	[tilespmem:s11], [sflag:$0x2] =	stream.indirect_vreg.gather [hbm4b:s6+s3], $0x80, v4, vm0, $0xb8;
	[tilespmem:$0x18400] =	vst v63  }
0x3d: {  	s12 =	simm.s32 $0x5C00  }
0x3e: {  	[tilespmem:s12], [sflag:$0x2] =	stream.indirect_vreg.gather [hbm4b:s7+s3], $0x80, v4, vm0, $0xb8;
	[tilespmem:$0x18400] =	vst v63  }
0x3f: {  	s13 =	simm.s32 $0x6400  }
0x40: {  	[tilespmem:s13], [sflag:$0x2] =	stream.indirect_vreg.gather [hbm4b:s1+s3], $0x80, v3, vm0, $0xb8;
	[tilespmem:$0x18400] =	vst v63  }
0x41: {  	s14 =	simm.s32 $0x6C00  }
0x42: {  	[tilespmem:s14], [sflag:$0x2] =	stream.indirect_vreg.gather [hbm4b:s5+s3], $0x80, v3, vm0, $0xb8;
	[tilespmem:$0x18400] =	vst v63  }
0x43: {  	s15 =	simm.s32 $0x7400  }
0x44: {  	[tilespmem:s15], [sflag:$0x2] =	stream.indirect_vreg.gather [hbm4b:s6+s3], $0x80, v3, vm0, $0xb8;
	[tilespmem:$0x18400] =	vst v63  }
0x45: {  	s9 =	simm.s32 $0x7C00  }
0x46: {  	[tilespmem:s9], [sflag:$0x2] =	stream.indirect_vreg.gather [hbm4b:s7+s3], $0x80, v3, vm0, $0xb8;
	[tilespmem:$0x18400] =	vst v63  }
0x47: {  	v3 =	vld [tilespmem:$0x20];
	_ =	sdelay $0x4  }
0x48: {  	v62 =	vshll.u32 v3, $0x3  }
0x49: {  	v3 =	vand.u32 $0x7, v3;
	v4 =	vand.u32 $0xFFFFFFC0, v62  }
0x4a: {  	v3 =	vor.u32 v3, v4  }
0x4b: {  	v4 =	vperm.xlane v3, v0;
	_ =	sdelay $0x1  }
0x4c: {  	v4 =	vadd.s32 v1, v4;
	_ =	sdelay $0x3  }
0x4d: {  	s11 =	simm.s32 $0x8400  }
0x4e: {  	[tilespmem:s11], [sflag:$0x3] =	stream.indirect_vreg.gather [hbm4b:s1+s3], $0x80, v4, vm0, $0xb8;
	[tilespmem:$0x18400] =	vst v63  }
0x4f: {  	s12 =	simm.s32 $0x8C00;
	v3 =	vperm.xlane v3, v2  }
0x50: {  	[tilespmem:s12], [sflag:$0x3] =	stream.indirect_vreg.gather [hbm4b:s5+s3], $0x80, v4, vm0, $0xb8;
	[tilespmem:$0x18400] =	vst v63  }
0x51: {  	s13 =	simm.s32 $0x9400;
	v3 =	vadd.s32 v1, v3  }
0x52: {  	[tilespmem:s13], [sflag:$0x3] =	stream.indirect_vreg.gather [hbm4b:s6+s3], $0x80, v4, vm0, $0xb8;
	[tilespmem:$0x18400] =	vst v63  }
0x53: {  	s14 =	simm.s32 $0x9C00  }
0x54: {  	[tilespmem:s14], [sflag:$0x3] =	stream.indirect_vreg.gather [hbm4b:s7+s3], $0x80, v4, vm0, $0xb8;
	[tilespmem:$0x18400] =	vst v63  }
0x55: {  	s15 =	simm.s32 $0xA400  }
0x56: {  	[tilespmem:s15], [sflag:$0x3] =	stream.indirect_vreg.gather [hbm4b:s1+s3], $0x80, v3, vm0, $0xb8;
	[tilespmem:$0x18400] =	vst v63  }
0x57: {  	s9 =	simm.s32 $0xAC00  }
0x58: {  	[tilespmem:s9], [sflag:$0x3] =	stream.indirect_vreg.gather [hbm4b:s5+s3], $0x80, v3, vm0, $0xb8;
	[tilespmem:$0x18400] =	vst v63  }
0x59: {  	s11 =	simm.s32 $0xB400  }
0x5a: {  	[tilespmem:s11], [sflag:$0x3] =	stream.indirect_vreg.gather [hbm4b:s6+s3], $0x80, v3, vm0, $0xb8;
	[tilespmem:$0x18400] =	vst v63  }
0x5b: {  	s12 =	simm.s32 $0xBC00  }
0x5c: {  	[tilespmem:s12], [sflag:$0x3] =	stream.indirect_vreg.gather [hbm4b:s7+s3], $0x80, v3, vm0, $0xb8;
	[tilespmem:$0x18400] =	vst v63  }
0x5d: {  	v3 =	vld [tilespmem:$0x30];
	_ =	sdelay $0x4  }
0x5e: {  	v63 =	vshll.u32 v3, $0x3  }
0x5f: {  	v3 =	vand.u32 $0x7, v3;
	v4 =	vand.u32 $0xFFFFFFC0, v63  }
0x60: {  	v3 =	vor.u32 v3, v4  }
0x61: {  	v4 =	vperm.xlane v3, v0;
	_ =	sdelay $0x1  }
0x62: {  	v4 =	vadd.s32 v1, v4;
	_ =	sdelay $0x3  }
0x63: {  	s13 =	simm.s32 $0xC400  }
0x64: {  	[tilespmem:s13], [sflag:$0x4] =	stream.indirect_vreg.gather [hbm4b:s1+s3], $0x80, v4, vm0, $0xb8;
	[tilespmem:$0x18400] =	vst v63  }
0x65: {  	s14 =	simm.s32 $0xCC00;
	v3 =	vperm.xlane v3, v2  }
0x66: {  	[tilespmem:s14], [sflag:$0x4] =	stream.indirect_vreg.gather [hbm4b:s5+s3], $0x80, v4, vm0, $0xb8;
	[tilespmem:$0x18400] =	vst v63  }
0x67: {  	s15 =	simm.s32 $0xD400;
	v3 =	vadd.s32 v1, v3  }
0x68: {  	[tilespmem:s15], [sflag:$0x4] =	stream.indirect_vreg.gather [hbm4b:s6+s3], $0x80, v4, vm0, $0xb8;
	[tilespmem:$0x18400] =	vst v63  }
0x69: {  	_ = 	snop  }
0x6a: {  	[tilespmem:s16], [sflag:$0x4] =	stream.indirect_vreg.gather [hbm4b:s7+s3], $0x80, v4, vm0, $0xb8;
	[tilespmem:$0x18400] =	vst v63  }
0x6b: {  	_ = 	snop  }
0x6c: {  	[tilespmem:s17], [sflag:$0x4] =	stream.indirect_vreg.gather [hbm4b:s1+s3], $0x80, v3, vm0, $0xb8;
	[tilespmem:$0x18400] =	vst v63  }
0x6d: {  	_ = 	snop  }
0x6e: {  	[tilespmem:s18], [sflag:$0x4] =	stream.indirect_vreg.gather [hbm4b:s5+s3], $0x80, v3, vm0, $0xb8;
	[tilespmem:$0x18400] =	vst v63  }
.Ltmp2:
0x6f: {  	_ = 	snop;
	(pc) =	sbr.rel .LBB2_2-.Ltmp2, $4  }
0x70: {  	_ = 	snop  }
0x71: {  	[tilespmem:s19], [sflag:$0x4] =	stream.indirect_vreg.gather [hbm4b:s6+s3], $0x80, v3, vm0, $0xb8;
	[tilespmem:$0x18400] =	vst v63  }
0x72: {  	s2 =	simm.s32 $0x40;
	s9 =	smov.u32 s0;
	s11 =	simm.s32 $0x0  }
0x73: {  	[tilespmem:s20], [sflag:$0x4] =	stream.indirect_vreg.gather [hbm4b:s7+s3], $0x80, v3, vm0, $0xb8;
	[tilespmem:$0x18400] =	vst v63  }
.LBB2_10:
0x74: {  	_ =	swait.ge [sflag:s30], $0x4000  }
0x75: {  	[sflag:s30] =	ssyncset.done $0x0  }
0x76: {  	p0 =	sgt.u32 s11, $0x3B;
	[sflag:s30] =	ssyncadd.s32 $0xFFFFC000  }
0x77: {  	v3 =	vld @!p0 [tilespmem:s2+$0x0];
	_ =	sdelay $0x4  }
0x78: {  	v4 =	vshll.u32 @!p0 v3, $0x3  }
0x79: {  	v5 =	vlaneseq.u32 @!p0;
	v3 =	vand.u32 @!p0 $0x7, v3;
	v4 =	vand.u32 @!p0 $0xFFFFFFC0, v4  }
0x7a: {  	v6 =	vshrl.u32 @!p0 v5, $0x3;
	v3 =	vor.u32 @!p0 v3, v4;
	v4 =	vand.u32 @!p0 $0x7, v5  }
0x7b: {  	v6 =	vmul.u32 @!p0 $0x8, v6;
	v4 =	vperm.xlane @!p0 v3, v4;
	_ =	sdelay $0x1  }
0x7c: {  	v4 =	vadd.s32 @!p0 v6, v4;
	_ =	sdelay $0x3  }
0x7d: {  	vm1 =	vmmov @!p0 $0xffff;
	s12 =	simm.s32 @!p0 $0x0;
	s13 =	simm.s32 @!p0 $0x4400  }
0x7e: {  	v5 =	vor.u32 @!p0 $0x8, v5;
	[tilespmem:s13], [sflag:$0x2] =	stream.indirect_vreg.gather @!p0 [hbm4b:s1+s12], $0x80, v4, vm1, $0xb8;
	[tilespmem:$0x18400] =	vst v63  }
0x7f: {  	v3 =	vperm.xlane @!p0 v3, v5;
	s13 =	simm.s32 @!p0 $0x4C00  }
0x80: {  	[tilespmem:s13], [sflag:$0x2] =	stream.indirect_vreg.gather @!p0 [hbm4b:s5+s12], $0x80, v4, vm1, $0xb8;
	[tilespmem:$0x18400] =	vst v63  }
0x81: {  	v3 =	vadd.s32 @!p0 v6, v3;
	s13 =	simm.s32 @!p0 $0x5400  }
0x82: {  	[tilespmem:s13], [sflag:$0x2] =	stream.indirect_vreg.gather @!p0 [hbm4b:s6+s12], $0x80, v4, vm1, $0xb8;
	[tilespmem:$0x18400] =	vst v63  }
0x83: {  	s13 =	simm.s32 @!p0 $0x5C00  }
0x84: {  	[tilespmem:s13], [sflag:$0x2] =	stream.indirect_vreg.gather @!p0 [hbm4b:s7+s12], $0x80, v4, vm1, $0xb8;
	[tilespmem:$0x18400] =	vst v63  }
0x85: {  	s13 =	simm.s32 @!p0 $0x6400  }
0x86: {  	[tilespmem:s13], [sflag:$0x2] =	stream.indirect_vreg.gather @!p0 [hbm4b:s1+s12], $0x80, v3, vm1, $0xb8;
	[tilespmem:$0x18400] =	vst v63  }
0x87: {  	s13 =	simm.s32 @!p0 $0x6C00  }
0x88: {  	[tilespmem:s13], [sflag:$0x2] =	stream.indirect_vreg.gather @!p0 [hbm4b:s5+s12], $0x80, v3, vm1, $0xb8;
	[tilespmem:$0x18400] =	vst v63  }
0x89: {  	s13 =	simm.s32 @!p0 $0x7400  }
0x8a: {  	[tilespmem:s13], [sflag:$0x2] =	stream.indirect_vreg.gather @!p0 [hbm4b:s6+s12], $0x80, v3, vm1, $0xb8;
	[tilespmem:$0x18400] =	vst v63  }
0x8b: {  	s13 =	simm.s32 @!p0 $0x7C00  }
0x8c: {  	[tilespmem:s13], [sflag:$0x2] =	stream.indirect_vreg.gather @!p0 [hbm4b:s7+s12], $0x80, v3, vm1, $0xb8;
	[tilespmem:$0x18400] =	vst v63  }
0x8d: {  	s12 =	simm.s32 @!p0 $0xC400;
	s13 =	simm.s32 @!p0 $0x4  }
0x8e: {  	s13 =	simm.s32 @p0 $0x4;
	s12 =	simm.s32 @p0 $0xC400  }
.LBB2_11:
0x8f: {  	s11 =	sadd.s32 $0x1, s11  }
0x90: {  	p0 =	sne.s32 s11, $0x40  }
.Ltmp3:
0x91: {  	_ =	swait.ge [sflag:s13], $0x4000;
	(pc) =	sbr.rel @!p0 .LBB2_12-.Ltmp3, $4  }
0x92: {  	[sflag:s13] =	ssyncset.done $0x0  }
0x93: {  	[sflag:s13] =	ssyncadd.s32 $0xFFFFC000  }
0x94: {  	[hbm4b:s9+s3] =	stream.linear.scatter [tilespmem:s12], [sflag:$0x7], $0x4000, $0x38;
	[tilespmem:$0x18400] =	vst v63  }
0x95: {  	s2 =	sadd.s32 $0x10, s2;
	s9 =	sadd.s32 $0x800, s9  }
.LBB2_2:
0x96: {  	s12 =	smul.u32 $0xAB, s11;
	_ =	sdelay $0x1  }
0x97: {  	s12 =	sshrl.u32 s12, $0xA  }
0x98: {  	s12 =	sand.u32 $0x3F, s12  }
0x99: {  	s12 =	smul.u32 $0x6, s12;
	_ =	sdelay $0x1  }
0x9a: {  	s12 =	ssub.s32 s11, s12  }
0x9b: {  	s12 =	sand.u32 $0xFF, s12  }
0x9c: {  	p0 =	sgt.s32 s12, $0x2  }
.Ltmp4:
0x9d: {  	_ = 	snop;
	(pc) =	sbr.rel @p0 .LBB2_5-.Ltmp4, $1  }
0x9e: {  	_ =	sdelay $0x3  }
0x9f: {  	p0 =	seq.s32 s12, $0x0  }
.Ltmp5:
0xa0: {  	_ = 	snop;
	(pc) =	sbr.rel @p0 .LBB2_7-.Ltmp5, $1  }
0xa1: {  	_ =	sdelay $0x3  }
0xa2: {  	p0 =	seq.s32 s12, $0x1  }
0xa3: {  	s12 =	simm.s32 @p0 $0x7  }
0xa4: {  	_ =	swait.ge @p0 [sflag:s12], $0x4000  }
0xa5: {  	p1 =	sgt.u32 @p0 s11, $0x3B;
	[sflag:s12] =	ssyncset.done @p0 $0x0  }
0xa6: {  	p2 =	por p1, !p0;
	[sflag:s12] =	ssyncadd.s32 @p0 $0xFFFFC000  }
0xa7: {  	v3 =	vld @!p2 [tilespmem:s2+$0x0];
	_ =	sdelay $0x4  }
0xa8: {  	v4 =	vshll.u32 @!p2 v3, $0x3  }
0xa9: {  	v5 =	vlaneseq.u32 @!p2;
	v3 =	vand.u32 @!p2 $0x7, v3;
	v4 =	vand.u32 @!p2 $0xFFFFFFC0, v4  }
0xaa: {  	v6 =	vshrl.u32 @!p2 v5, $0x3;
	v3 =	vor.u32 @!p2 v3, v4;
	v4 =	vand.u32 @!p2 $0x7, v5  }
0xab: {  	v6 =	vmul.u32 @!p2 $0x8, v6;
	v4 =	vperm.xlane @!p2 v3, v4;
	_ =	sdelay $0x1  }
0xac: {  	v4 =	vadd.s32 @!p2 v6, v4;
	_ =	sdelay $0x3  }
0xad: {  	vm1 =	vmmov @!p2 $0xffff;
	s13 =	simm.s32 @!p2 $0x14400;
	s12 =	simm.s32 @!p2 $0x0  }
0xae: {  	v5 =	vor.u32 @!p2 $0x8, v5;
	[tilespmem:s13], [sflag:$0x6] =	stream.indirect_vreg.gather @!p2 [hbm4b:s1+s12], $0x80, v4, vm1, $0xb8;
	[tilespmem:$0x18400] =	vst v63  }
0xaf: {  	v3 =	vperm.xlane @!p2 v3, v5;
	s13 =	simm.s32 @!p2 $0x14C00  }
0xb0: {  	[tilespmem:s13], [sflag:$0x6] =	stream.indirect_vreg.gather @!p2 [hbm4b:s5+s12], $0x80, v4, vm1, $0xb8;
	[tilespmem:$0x18400] =	vst v63  }
0xb1: {  	v3 =	vadd.s32 @!p2 v6, v3;
	s13 =	simm.s32 @!p2 $0x15400  }
0xb2: {  	[tilespmem:s13], [sflag:$0x6] =	stream.indirect_vreg.gather @!p2 [hbm4b:s6+s12], $0x80, v4, vm1, $0xb8;
	[tilespmem:$0x18400] =	vst v63  }
0xb3: {  	s13 =	simm.s32 @!p2 $0x15C00  }
0xb4: {  	[tilespmem:s13], [sflag:$0x6] =	stream.indirect_vreg.gather @!p2 [hbm4b:s7+s12], $0x80, v4, vm1, $0xb8;
	[tilespmem:$0x18400] =	vst v63  }
0xb5: {  	s13 =	simm.s32 @!p2 $0x16400  }
0xb6: {  	[tilespmem:s13], [sflag:$0x6] =	stream.indirect_vreg.gather @!p2 [hbm4b:s1+s12], $0x80, v3, vm1, $0xb8;
	[tilespmem:$0x18400] =	vst v63  }
0xb7: {  	s13 =	simm.s32 @!p2 $0x16C00  }
0xb8: {  	[tilespmem:s13], [sflag:$0x6] =	stream.indirect_vreg.gather @!p2 [hbm4b:s5+s12], $0x80, v3, vm1, $0xb8;
	[tilespmem:$0x18400] =	vst v63  }
0xb9: {  	s13 =	simm.s32 @!p2 $0x17400  }
0xba: {  	[tilespmem:s13], [sflag:$0x6] =	stream.indirect_vreg.gather @!p2 [hbm4b:s6+s12], $0x80, v3, vm1, $0xb8;
	[tilespmem:$0x18400] =	vst v63  }
0xbb: {  	s13 =	simm.s32 @!p2 $0x17C00  }
0xbc: {  	[tilespmem:s13], [sflag:$0x6] =	stream.indirect_vreg.gather @!p2 [hbm4b:s7+s12], $0x80, v3, vm1, $0xb8;
	[tilespmem:$0x18400] =	vst v63  }
0xbd: {  	s12 =	simm.s32 @!p0 $0x7  }
0xbe: {  	_ =	swait.ge @!p0 [sflag:s12], $0x4000  }
0xbf: {  	p2 =	sgt.u32 @!p0 s11, $0x3B;
	[sflag:s12] =	ssyncset.done @!p0 $0x0  }
0xc0: {  	p3 =	por p2, p0;
	[sflag:s12] =	ssyncadd.s32 @!p0 $0xFFFFC000  }
0xc1: {  	v3 =	vld @!p3 [tilespmem:s2+$0x0];
	_ =	sdelay $0x4  }
0xc2: {  	v4 =	vshll.u32 @!p3 v3, $0x3  }
0xc3: {  	v5 =	vlaneseq.u32 @!p3;
	v3 =	vand.u32 @!p3 $0x7, v3;
	v4 =	vand.u32 @!p3 $0xFFFFFFC0, v4  }
0xc4: {  	v6 =	vshrl.u32 @!p3 v5, $0x3;
	v3 =	vor.u32 @!p3 v3, v4;
	v4 =	vand.u32 @!p3 $0x7, v5  }
0xc5: {  	v6 =	vmul.u32 @!p3 $0x8, v6;
	v4 =	vperm.xlane @!p3 v3, v4;
	_ =	sdelay $0x1  }
0xc6: {  	v4 =	vadd.s32 @!p3 v6, v4;
	_ =	sdelay $0x3  }
0xc7: {  	vm1 =	vmmov @!p3 $0xffff;
	s13 =	simm.s32 @!p3 $0x400;
	s12 =	simm.s32 @!p3 $0x0  }
0xc8: {  	v5 =	vor.u32 @!p3 $0x8, v5;
	[tilespmem:s13], [sflag:$0x1] =	stream.indirect_vreg.gather @!p3 [hbm4b:s1+s12], $0x80, v4, vm1, $0xb8;
	[tilespmem:$0x18400] =	vst v63  }
0xc9: {  	v3 =	vperm.xlane @!p3 v3, v5;
	s13 =	simm.s32 @!p3 $0xC00  }
0xca: {  	[tilespmem:s13], [sflag:$0x1] =	stream.indirect_vreg.gather @!p3 [hbm4b:s5+s12], $0x80, v4, vm1, $0xb8;
	[tilespmem:$0x18400] =	vst v63  }
0xcb: {  	v3 =	vadd.s32 @!p3 v6, v3;
	s13 =	simm.s32 @!p3 $0x1400  }
0xcc: {  	[tilespmem:s13], [sflag:$0x1] =	stream.indirect_vreg.gather @!p3 [hbm4b:s6+s12], $0x80, v4, vm1, $0xb8;
	[tilespmem:$0x18400] =	vst v63  }
0xcd: {  	s13 =	simm.s32 @!p3 $0x1C00  }
0xce: {  	[tilespmem:s13], [sflag:$0x1] =	stream.indirect_vreg.gather @!p3 [hbm4b:s7+s12], $0x80, v4, vm1, $0xb8;
	[tilespmem:$0x18400] =	vst v63  }
0xcf: {  	s13 =	simm.s32 @!p3 $0x2400  }
0xd0: {  	[tilespmem:s13], [sflag:$0x1] =	stream.indirect_vreg.gather @!p3 [hbm4b:s1+s12], $0x80, v3, vm1, $0xb8;
	[tilespmem:$0x18400] =	vst v63  }
0xd1: {  	s15 =	simm.s32 @p0 $0x2;
	p1 =	por !p1, !p0;
	s13 =	simm.s32 @!p3 $0x2C00  }
0xd2: {  	[tilespmem:s13], [sflag:$0x1] =	stream.indirect_vreg.gather @!p3 [hbm4b:s5+s12], $0x80, v3, vm1, $0xb8;
	[tilespmem:$0x18400] =	vst v63  }
0xd3: {  	s14 =	simm.s32 @p0 $0x4400;
	s15 =	simm.s32 @p1 $0x2;
	s13 =	simm.s32 @!p3 $0x3400  }
0xd4: {  	[tilespmem:s13], [sflag:$0x1] =	stream.indirect_vreg.gather @!p3 [hbm4b:s6+s12], $0x80, v3, vm1, $0xb8;
	[tilespmem:$0x18400] =	vst v63  }
.Ltmp6:
0xd5: {  	s14 =	simm.s32 @p1 $0x4400;
	s13 =	simm.s32 @!p3 $0x3C00;
	(pc) =	sbr.rel .LBB2_11-.Ltmp6, $4  }
0xd6: {  	[tilespmem:s13], [sflag:$0x1] =	stream.indirect_vreg.gather @!p3 [hbm4b:s7+s12], $0x80, v3, vm1, $0xb8;
	[tilespmem:$0x18400] =	vst v63  }
0xd7: {  	p1 =	por !p2, p0;
	s12 =	simm.s32 @!p0 $0x8400;
	s13 =	simm.s32 @!p0 $0x3  }
0xd8: {  	s13 =	simm.s32 @p1 $0x3;
	s12 =	simm.s32 @p1 $0x8400  }
0xd9: {  	s13 =	smov.u32 @p0 s15;
	s12 =	smov.u32 @p0 s14  }
.LBB2_5:
0xda: {  	p0 =	seq.s32 s12, $0x3  }
.Ltmp7:
0xdb: {  	_ = 	snop;
	(pc) =	sbr.rel @p0 .LBB2_10-.Ltmp7, $1  }
0xdc: {  	_ =	sdelay $0x3  }
0xdd: {  	p0 =	seq.s32 s12, $0x4  }
0xde: {  	s12 =	simm.s32 @p0 $0x7  }
0xdf: {  	_ =	swait.ge @p0 [sflag:s12], $0x4000  }
0xe0: {  	p1 =	sgt.u32 @p0 s11, $0x3B;
	[sflag:s12] =	ssyncset.done @p0 $0x0  }
0xe1: {  	p2 =	por p1, !p0;
	[sflag:s12] =	ssyncadd.s32 @p0 $0xFFFFC000  }
0xe2: {  	v3 =	vld @!p2 [tilespmem:s2+$0x0];
	_ =	sdelay $0x4  }
0xe3: {  	v4 =	vshll.u32 @!p2 v3, $0x3  }
0xe4: {  	v5 =	vlaneseq.u32 @!p2;
	v3 =	vand.u32 @!p2 $0x7, v3;
	v4 =	vand.u32 @!p2 $0xFFFFFFC0, v4  }
0xe5: {  	v6 =	vshrl.u32 @!p2 v5, $0x3;
	v3 =	vor.u32 @!p2 v3, v4;
	v4 =	vand.u32 @!p2 $0x7, v5  }
0xe6: {  	v6 =	vmul.u32 @!p2 $0x8, v6;
	v4 =	vperm.xlane @!p2 v3, v4;
	_ =	sdelay $0x1  }
0xe7: {  	v4 =	vadd.s32 @!p2 v6, v4;
	_ =	sdelay $0x3  }
0xe8: {  	vm1 =	vmmov @!p2 $0xffff;
	s13 =	simm.s32 @!p2 $0x8400;
	s12 =	simm.s32 @!p2 $0x0  }
0xe9: {  	v5 =	vor.u32 @!p2 $0x8, v5;
	[tilespmem:s13], [sflag:$0x3] =	stream.indirect_vreg.gather @!p2 [hbm4b:s1+s12], $0x80, v4, vm1, $0xb8;
	[tilespmem:$0x18400] =	vst v63  }
0xea: {  	v3 =	vperm.xlane @!p2 v3, v5;
	s13 =	simm.s32 @!p2 $0x8C00  }
0xeb: {  	[tilespmem:s13], [sflag:$0x3] =	stream.indirect_vreg.gather @!p2 [hbm4b:s5+s12], $0x80, v4, vm1, $0xb8;
	[tilespmem:$0x18400] =	vst v63  }
0xec: {  	v3 =	vadd.s32 @!p2 v6, v3;
	s13 =	simm.s32 @!p2 $0x9400  }
0xed: {  	[tilespmem:s13], [sflag:$0x3] =	stream.indirect_vreg.gather @!p2 [hbm4b:s6+s12], $0x80, v4, vm1, $0xb8;
	[tilespmem:$0x18400] =	vst v63  }
0xee: {  	s13 =	simm.s32 @!p2 $0x9C00  }
0xef: {  	[tilespmem:s13], [sflag:$0x3] =	stream.indirect_vreg.gather @!p2 [hbm4b:s7+s12], $0x80, v4, vm1, $0xb8;
	[tilespmem:$0x18400] =	vst v63  }
0xf0: {  	s13 =	simm.s32 @!p2 $0xA400  }
0xf1: {  	[tilespmem:s13], [sflag:$0x3] =	stream.indirect_vreg.gather @!p2 [hbm4b:s1+s12], $0x80, v3, vm1, $0xb8;
	[tilespmem:$0x18400] =	vst v63  }
0xf2: {  	s13 =	simm.s32 @!p2 $0xAC00  }
0xf3: {  	[tilespmem:s13], [sflag:$0x3] =	stream.indirect_vreg.gather @!p2 [hbm4b:s5+s12], $0x80, v3, vm1, $0xb8;
	[tilespmem:$0x18400] =	vst v63  }
0xf4: {  	s13 =	simm.s32 @!p2 $0xB400  }
0xf5: {  	[tilespmem:s13], [sflag:$0x3] =	stream.indirect_vreg.gather @!p2 [hbm4b:s6+s12], $0x80, v3, vm1, $0xb8;
	[tilespmem:$0x18400] =	vst v63  }
0xf6: {  	s13 =	simm.s32 @!p2 $0xBC00  }
0xf7: {  	[tilespmem:s13], [sflag:$0x3] =	stream.indirect_vreg.gather @!p2 [hbm4b:s7+s12], $0x80, v3, vm1, $0xb8;
	[tilespmem:$0x18400] =	vst v63  }
0xf8: {  	s12 =	simm.s32 @!p0 $0x7  }
0xf9: {  	_ =	swait.ge @!p0 [sflag:s12], $0x4000  }
0xfa: {  	p2 =	sgt.u32 @!p0 s11, $0x3B;
	[sflag:s12] =	ssyncset.done @!p0 $0x0  }
0xfb: {  	p3 =	por p2, p0;
	[sflag:s12] =	ssyncadd.s32 @!p0 $0xFFFFC000  }
0xfc: {  	v3 =	vld @!p3 [tilespmem:s2+$0x0];
	_ =	sdelay $0x4  }
0xfd: {  	v4 =	vshll.u32 @!p3 v3, $0x3  }
0xfe: {  	v5 =	vlaneseq.u32 @!p3;
	v3 =	vand.u32 @!p3 $0x7, v3;
	v4 =	vand.u32 @!p3 $0xFFFFFFC0, v4  }
0xff: {  	v6 =	vshrl.u32 @!p3 v5, $0x3;
	v3 =	vor.u32 @!p3 v3, v4;
	v4 =	vand.u32 @!p3 $0x7, v5  }
0x100: {  	v6 =	vmul.u32 @!p3 $0x8, v6;
	v4 =	vperm.xlane @!p3 v3, v4;
	_ =	sdelay $0x1  }
0x101: {  	v4 =	vadd.s32 @!p3 v6, v4;
	_ =	sdelay $0x3  }
0x102: {  	vm1 =	vmmov @!p3 $0xffff;
	s13 =	simm.s32 @!p3 $0xC400;
	s12 =	simm.s32 @!p3 $0x0  }
0x103: {  	v5 =	vor.u32 @!p3 $0x8, v5;
	[tilespmem:s13], [sflag:$0x4] =	stream.indirect_vreg.gather @!p3 [hbm4b:s1+s12], $0x80, v4, vm1, $0xb8;
	[tilespmem:$0x18400] =	vst v63  }
0x104: {  	v3 =	vperm.xlane @!p3 v3, v5;
	s13 =	simm.s32 @!p3 $0xCC00  }
0x105: {  	[tilespmem:s13], [sflag:$0x4] =	stream.indirect_vreg.gather @!p3 [hbm4b:s5+s12], $0x80, v4, vm1, $0xb8;
	[tilespmem:$0x18400] =	vst v63  }
0x106: {  	v3 =	vadd.s32 @!p3 v6, v3;
	s13 =	simm.s32 @!p3 $0xD400  }
0x107: {  	[tilespmem:s13], [sflag:$0x4] =	stream.indirect_vreg.gather @!p3 [hbm4b:s6+s12], $0x80, v4, vm1, $0xb8;
	[tilespmem:$0x18400] =	vst v63  }
0x108: {  	s13 =	simm.s32 @!p3 $0xDC00  }
0x109: {  	[tilespmem:s13], [sflag:$0x4] =	stream.indirect_vreg.gather @!p3 [hbm4b:s7+s12], $0x80, v4, vm1, $0xb8;
	[tilespmem:$0x18400] =	vst v63  }
0x10a: {  	s13 =	simm.s32 @!p3 $0xE400  }
0x10b: {  	[tilespmem:s13], [sflag:$0x4] =	stream.indirect_vreg.gather @!p3 [hbm4b:s1+s12], $0x80, v3, vm1, $0xb8;
	[tilespmem:$0x18400] =	vst v63  }
0x10c: {  	s15 =	simm.s32 @p0 $0x5;
	p1 =	por !p1, !p0;
	s13 =	simm.s32 @!p3 $0xEC00  }
0x10d: {  	[tilespmem:s13], [sflag:$0x4] =	stream.indirect_vreg.gather @!p3 [hbm4b:s5+s12], $0x80, v3, vm1, $0xb8;
	[tilespmem:$0x18400] =	vst v63  }
0x10e: {  	s14 =	simm.s32 @p0 $0x10400;
	s15 =	simm.s32 @p1 $0x5;
	s13 =	simm.s32 @!p3 $0xF400  }
0x10f: {  	[tilespmem:s13], [sflag:$0x4] =	stream.indirect_vreg.gather @!p3 [hbm4b:s6+s12], $0x80, v3, vm1, $0xb8;
	[tilespmem:$0x18400] =	vst v63  }
.Ltmp8:
0x110: {  	s14 =	simm.s32 @p1 $0x10400;
	s13 =	simm.s32 @!p3 $0xFC00;
	(pc) =	sbr.rel .LBB2_11-.Ltmp8, $4  }
0x111: {  	[tilespmem:s13], [sflag:$0x4] =	stream.indirect_vreg.gather @!p3 [hbm4b:s7+s12], $0x80, v3, vm1, $0xb8;
	[tilespmem:$0x18400] =	vst v63  }
0x112: {  	p1 =	por !p2, p0;
	s12 =	simm.s32 @!p0 $0x14400;
	s13 =	simm.s32 @!p0 $0x6  }
0x113: {  	s13 =	simm.s32 @p1 $0x6;
	s12 =	simm.s32 @p1 $0x14400  }
0x114: {  	s13 =	smov.u32 @p0 s15;
	s12 =	smov.u32 @p0 s14  }
.LBB2_7:
0x115: {  	p0 =	seq.s32 s11, $0x0  }
0x116: {  	p1 =	sgt.u32 @!p0 s11, $0x3B  }
0x117: {  	p1 =	por p0, !p1  }
.Ltmp9:
0x118: {  	_ = 	snop;
	(pc) =	sbr.rel @!p1 .LBB2_8-.Ltmp9, $4  }
0x119: {  	s12 =	simm.s32 @!p0 $0x7  }
0x11a: {  	_ =	swait.ge @!p0 [sflag:s12], $0x4000  }
0x11b: {  	[sflag:s12] =	ssyncset.done @!p0 $0x0  }
0x11c: {  	[sflag:s12] =	ssyncadd.s32 @!p0 $0xFFFFC000  }
0x11d: {  	v3 =	vld [tilespmem:s2+$0x0];
	_ =	sdelay $0x4  }
0x11e: {  	v4 =	vshll.u32 v3, $0x3  }
0x11f: {  	v3 =	vand.u32 $0x7, v3;
	v4 =	vand.u32 $0xFFFFFFC0, v4  }
0x120: {  	v3 =	vor.u32 v3, v4  }
0x121: {  	v4 =	vperm.xlane v3, v0;
	_ =	sdelay $0x1  }
0x122: {  	v4 =	vadd.s32 v1, v4;
	_ =	sdelay $0x4  }
0x123: {  	[tilespmem:s21], [sflag:$0x5] =	stream.indirect_vreg.gather [hbm4b:s1+s3], $0x80, v4, vm0, $0xb8;
	[tilespmem:$0x18400] =	vst v63  }
0x124: {  	v3 =	vperm.xlane v3, v2  }
0x125: {  	[tilespmem:s22], [sflag:$0x5] =	stream.indirect_vreg.gather [hbm4b:s5+s3], $0x80, v4, vm0, $0xb8;
	[tilespmem:$0x18400] =	vst v63  }
0x126: {  	v3 =	vadd.s32 v1, v3  }
0x127: {  	[tilespmem:s23], [sflag:$0x5] =	stream.indirect_vreg.gather [hbm4b:s6+s3], $0x80, v4, vm0, $0xb8;
	[tilespmem:$0x18400] =	vst v63  }
0x128: {  	_ = 	snop  }
0x129: {  	[tilespmem:s24], [sflag:$0x5] =	stream.indirect_vreg.gather [hbm4b:s7+s3], $0x80, v4, vm0, $0xb8;
	[tilespmem:$0x18400] =	vst v63  }
0x12a: {  	_ = 	snop  }
0x12b: {  	[tilespmem:s25], [sflag:$0x5] =	stream.indirect_vreg.gather [hbm4b:s1+s3], $0x80, v3, vm0, $0xb8;
	[tilespmem:$0x18400] =	vst v63  }
0x12c: {  	_ = 	snop  }
0x12d: {  	[tilespmem:s26], [sflag:$0x5] =	stream.indirect_vreg.gather [hbm4b:s5+s3], $0x80, v3, vm0, $0xb8;
	[tilespmem:$0x18400] =	vst v63  }
.Ltmp10:
0x12e: {  	_ = 	snop;
	(pc) =	sbr.rel .LBB2_11-.Ltmp10, $4  }
0x12f: {  	_ = 	snop  }
0x130: {  	[tilespmem:s28], [sflag:$0x5] =	stream.indirect_vreg.gather [hbm4b:s6+s3], $0x80, v3, vm0, $0xb8;
	[tilespmem:$0x18400] =	vst v63  }
0x131: {  	s12 =	simm.s32 $0x400;
	s13 =	simm.s32 $0x1  }
0x132: {  	[tilespmem:s29], [sflag:$0x5] =	stream.indirect_vreg.gather [hbm4b:s7+s3], $0x80, v3, vm0, $0xb8;
	[tilespmem:$0x18400] =	vst v63  }
.LBB2_8:
.Ltmp11:
0x133: {  	(pc) =	sbr.rel .LBB2_11-.Ltmp11, $2  }
0x134: {  	_ =	sdelay $0x2  }
0x135: {  	s12 =	simm.s32 @!p0 $0x400;
	s13 =	simm.s32 @!p0 $0x1  }
.LBB2_13:
0x136: {  	_ =	sfence.sel $0x180000  }
0x137: {  	[bflag:$0x0] =	sbarrier.arrive $0xFFFF  }
0x138: {  	_ =	strace $0x90000047  }
0x139: {  	s0 =	stileid.u32;
	[bflag:$0x2] =	sbarrier.arrive $0xFFFF  }
0x13a: {  	p0 =	sne.s32 s0, $0x0;
	s0 =	rddreg [dreg:$0x3]  }
0x13b: {  	s0 =	sadd.s32 @!p0 $0x100000, s0  }
0x13c: {  	[sflag:s0] =	ssyncadd.tile.s32 @!p0 $0x1;
	_ =	shalt  }
.Lfunc_end2:
_tile_overlayer_lowered:
.L_overlay_start_2:
0x13d: {  	(tag) =	ssettag $0x2  }
0x13e: {  	s0 =	rddreg [dreg:$0x0];
	s2 =	stileid.u32  }
0x13f: {  	s1 =	rddreg [dreg:$0x1];
	p0 =	sne.s32 s2, $0x0  }
0x140: {  	s3 =	rddreg [dreg:$0x2];
	[bflag:$0x3] =	sbarrier.arrive $0xFFFF;
	s2 =	simm.s32 @!p0 $0x1C08  }
0x141: {  	[timem:s3], [sflag:s2] =	dma.local @!p0 [hbm:s0], s1  }
0x142: {  	s0 =	simm.s32 @!p0 $0x8  }
0x143: {  	_ =	swait.ge @!p0 [sflag:s0], s1  }
0x144: {  	s1 =	ssub.s32 @!p0 $0x0, s1;
	[sflag:s0] =	ssyncset.done @!p0 $0x0  }
0x145: {  	[sflag:s0] =	ssyncadd.s32 @!p0 s1  }
0x146: {  	[bflag:$0x3] =	sbarrier.arrive $0xFFFF  }
0x147: {  	_ =	shalt  }

</sc_bundles>
